<compile_context>
chip_gen: v7x
topology: tpu7x:2x2x1
jax: 0.10.2.dev20260603
libtpu: 0.0.44.dev20260713+nightly
codegen_flags: <defaults>
</compile_context>

<pallas_src>
import functools

import jax
import jax.numpy as jnp
from jax import lax
from jax.experimental import pallas as pl
from jax.experimental.pallas import tpu as pltpu
from jax.experimental.pallas import tpu_sc as plsc

DIM = 128
BATCH = 16384
NC = 2
NS = 16
L = 16
NW = NC * NS
BPW = BATCH // NW
CH = 128
NCHUNK = BPW // CH
VPR = DIM // L
TPC = CH // L

_mesh = plsc.VectorSubcoreMesh(
    core_axis_name="c", subcore_axis_name="s", num_cores=NC, num_subcores=NS
)


@functools.partial(
    pl.kernel,
    out_type=jax.ShapeDtypeStruct((NW, L), jnp.float32),
    mesh=_mesh,
    scratch_types=[
        pltpu.VMEM((3 * BPW,), jnp.int32),
        pltpu.VMEM((2, 3, CH, DIM), jnp.float32),
        pltpu.VMEM((L,), jnp.float32),
        pltpu.SemaphoreType.DMA,
        pltpu.SemaphoreType.DMA,
    ],
)
def _transe_loss_sc(ins_hbm, rel_hbm, sample_hbm, out_hbm, idx_v,
                    rows_v, acc_v, sem0, sem1):
    wid = lax.axis_index("s") * NC + lax.axis_index("c")
    sems = (sem0, sem1)

    for j in range(3):
        pltpu.async_copy(sample_hbm.at[pl.ds(j * BATCH + wid * BPW, BPW)],
                         idx_v.at[pl.ds(j * BPW, BPW)], sem0)
    for j in range(3):
        pltpu.make_async_copy(sample_hbm.at[pl.ds(j * BATCH + wid * BPW, BPW)],
                              idx_v.at[pl.ds(j * BPW, BPW)], sem0).wait()

    def islice(j, c):
        return idx_v.at[pl.ds(j * BPW + c * CH, CH)]

    def fire(c, buf):
        sem = sems[buf]
        pltpu.async_copy(ins_hbm.at[islice(0, c)], rows_v.at[buf, 0], sem)
        pltpu.async_copy(rel_hbm.at[islice(1, c)], rows_v.at[buf, 1], sem)
        pltpu.async_copy(ins_hbm.at[islice(2, c)], rows_v.at[buf, 2], sem)

    def drain(c, buf):
        sem = sems[buf]
        pltpu.make_async_copy(ins_hbm.at[islice(0, c)],
                              rows_v.at[buf, 0], sem).wait()
        pltpu.make_async_copy(rel_hbm.at[islice(1, c)],
                              rows_v.at[buf, 1], sem).wait()
        pltpu.make_async_copy(ins_hbm.at[islice(2, c)],
                              rows_v.at[buf, 2], sem).wait()

    fire(0, 0)
    fire(1, 1)

    accs = tuple(jnp.zeros((L,), jnp.float32) for _ in range(VPR))
    for c in range(NCHUNK):
        buf = c % 2
        drain(c, buf)

        def body(s, accs):
            new = []
            for k in range(VPR):
                sl = pl.ds(k * L, L)
                e1 = rows_v[buf, 0, s, sl]
                r = rows_v[buf, 1, s, sl]
                e2 = rows_v[buf, 2, s, sl]
                d = (e1 + r) - e2
                new.append(accs[k] + d * d)
            return tuple(new)

        accs = lax.fori_loop(0, 1, body, accs)

        if c + 2 < NCHUNK:
            fire(c + 2, buf)

    total = accs[0]
    for k in range(1, VPR):
        total = total + accs[k]
    acc_v[...] = total
    pltpu.sync_copy(acc_v, out_hbm.at[wid])


def kernel(ins_emb, rel_emb, sample):
    cols = sample.astype(jnp.int32).T.reshape(-1)
    partials = _transe_loss_sc(ins_emb, rel_emb, cols)
    return jnp.sum(partials)

# --- scband reference (transcript-rebuilt; emitter-appended) ---
"""Pipeline reference for scband-decoder-36618891166195 (READ-ONLY COPY).

The authoritative reference and input builder live on the scoring server;
editing this copy changes nothing except your own understanding.
"""

import jax, jax.numpy as jnp
import numpy as np

N_ENT = 100000
N_REL = 100000
DIM = 128
BATCH = 16384


def setup_inputs(seed: int = 0) -> dict:
    key = jax.random.key(seed)
    k1, k2, k3 = jax.random.split(key, 3)
    ins_emb = jax.random.normal(k1, (N_ENT, DIM), dtype=jnp.float32)
    rel_emb = jax.random.normal(k2, (N_REL, DIM), dtype=jnp.float32)
    sample = jax.random.randint(k3, (BATCH, 3), 0, N_REL, dtype=jnp.int64 if jax.config.jax_enable_x64 else jnp.int32).astype(jnp.int32)
    return {"ins_emb": ins_emb, "rel_emb": rel_emb, "sample": sample}


def reference(ins_emb, rel_emb, sample):
    # Decoder(name='transe', sampling='.') -> uses TransE.only_pos_loss with p=2,
    # feat_drop=0.0 (dropout is identity), transe_sp=False.
    e1 = jnp.take(ins_emb, sample[:, 0], axis=0)   # gather head entity embeddings
    r = jnp.take(rel_emb, sample[:, 1], axis=0)    # gather relation embeddings
    e2 = jnp.take(ins_emb, sample[:, 2], axis=0)   # gather tail entity embeddings
    # p == 2 branch: sum over dim then sum over batch -> scalar loss
    diff = e1 + r - e2
    loss = jnp.sum(jnp.sum(diff * diff, axis=1))
    return loss

if __name__ == "__main__":
    import jax
    _d = setup_inputs()
    print(jax.jit(kernel)(*tuple(_d.values())))

</pallas_src>

<mosaic_0001>
#map = affine_map<(d0, d1) -> (0, 0)>
#map1 = affine_map<(d0, d1) -> (0)>
module attributes {stable_mosaic.version = 14 : i64} {
  func.func @_transe_loss_sc(%arg0: i32, %arg1: i32, %arg2: memref<100000x128xf32, #tpu.memory_space<hbm>>, %arg3: memref<100000x128xf32, #tpu.memory_space<hbm>>, %arg4: memref<49152xi32, #tpu.memory_space<hbm>>, %arg5: memref<32x16xf32, #tpu.memory_space<hbm>>, %arg6: memref<1536xi32, #tpu.memory_space<vmem>>, %arg7: memref<2x3x128x128xf32, #tpu.memory_space<vmem>>, %arg8: memref<16xf32, #tpu.memory_space<vmem>>, %arg9: memref<!tpu.dma_semaphore, #tpu.memory_space<semaphore_mem>>, %arg10: memref<!tpu.dma_semaphore, #tpu.memory_space<semaphore_mem>>) attributes {dimension_semantics = [#tpu.dimension_semantics<core_parallel>, #tpu.dimension_semantics<subcore_parallel>], iteration_bounds = array<i64: 2, 16>, scalar_prefetch = 0 : i64, scratch_operands = 5 : i64, tpu.core_type = #tpu.core_type<sc_vector_subcore>, window_params = [{transform_indices = #map}, {transform_indices = #map}, {transform_indices = #map1}, {transform_indices = #map}]} {
    %mul3A = arith.constant 2 : i32
    %mul3A_0 = arith.muli %arg1, %mul3A : i32
    %add3A = arith.addi %mul3A_0, %arg0 : i32
    %mul3A_1 = arith.constant 512 : i32
    %mul3A_2 = arith.muli %add3A, %mul3A_1 : i32
    %add3A_3 = arith.constant 0 : i32
    %add3A_4 = arith.addi %add3A_3, %mul3A_2 : i32
    %dma_start3A = arith.constant 0 : i32
    %dma_start3A_5 = tpu.memref_slice %arg6[%dma_start3A] : memref<1536xi32, #tpu.memory_space<vmem>> -> memref<512xi32, #tpu.memory_space<vmem>>
    %dma_start3A_6 = tpu.memref_slice %arg4[%add3A_4] : memref<49152xi32, #tpu.memory_space<hbm>> -> memref<512xi32, #tpu.memory_space<hbm>>
    %dma_start3A_7 = arith.constant 0 : i32
    %dma_start3A_8 = tpu.memref_slice %arg6[%dma_start3A_7] : memref<1536xi32, #tpu.memory_space<vmem>> -> memref<512xi32, #tpu.memory_space<vmem>>
    %dma_start3A_9 = tpu.memref_slice %arg4[%add3A_4] : memref<49152xi32, #tpu.memory_space<hbm>> -> memref<512xi32, #tpu.memory_space<hbm>>
    tpu.enqueue_dma source(%dma_start3A_9 : memref<512xi32, #tpu.memory_space<hbm>>) target(%dma_start3A_8 : memref<512xi32, #tpu.memory_space<vmem>>) target_semaphore(%arg9 : memref<!tpu.dma_semaphore, #tpu.memory_space<semaphore_mem>>)
    %mul3A_10 = arith.constant 512 : i32
    %mul3A_11 = arith.muli %add3A, %mul3A_10 : i32
    %add3A_12 = arith.constant 16384 : i32
    %add3A_13 = arith.addi %add3A_12, %mul3A_11 : i32
    %dma_start3A_14 = arith.constant 512 : i32
    %dma_start3A_15 = tpu.memref_slice %arg6[%dma_start3A_14] : memref<1536xi32, #tpu.memory_space<vmem>> -> memref<512xi32, #tpu.memory_space<vmem>>
    %dma_start3A_16 = tpu.memref_slice %arg4[%add3A_13] : memref<49152xi32, #tpu.memory_space<hbm>> -> memref<512xi32, #tpu.memory_space<hbm>>
    %dma_start3A_17 = arith.constant 512 : i32
    %dma_start3A_18 = tpu.memref_slice %arg6[%dma_start3A_17] : memref<1536xi32, #tpu.memory_space<vmem>> -> memref<512xi32, #tpu.memory_space<vmem>>
    %dma_start3A_19 = tpu.memref_slice %arg4[%add3A_13] : memref<49152xi32, #tpu.memory_space<hbm>> -> memref<512xi32, #tpu.memory_space<hbm>>
    tpu.enqueue_dma source(%dma_start3A_19 : memref<512xi32, #tpu.memory_space<hbm>>) target(%dma_start3A_18 : memref<512xi32, #tpu.memory_space<vmem>>) target_semaphore(%arg9 : memref<!tpu.dma_semaphore, #tpu.memory_space<semaphore_mem>>)
    %mul3A_20 = arith.constant 512 : i32
    %mul3A_21 = arith.muli %add3A, %mul3A_20 : i32
    %add3A_22 = arith.constant 32768 : i32
    %add3A_23 = arith.addi %add3A_22, %mul3A_21 : i32
    %dma_start3A_24 = arith.constant 1024 : i32
    %dma_start3A_25 = tpu.memref_slice %arg6[%dma_start3A_24] : memref<1536xi32, #tpu.memory_space<vmem>> -> memref<512xi32, #tpu.memory_space<vmem>>
    %dma_start3A_26 = tpu.memref_slice %arg4[%add3A_23] : memref<49152xi32, #tpu.memory_space<hbm>> -> memref<512xi32, #tpu.memory_space<hbm>>
    %dma_start3A_27 = arith.constant 1024 : i32
    %dma_start3A_28 = tpu.memref_slice %arg6[%dma_start3A_27] : memref<1536xi32, #tpu.memory_space<vmem>> -> memref<512xi32, #tpu.memory_space<vmem>>
    %dma_start3A_29 = tpu.memref_slice %arg4[%add3A_23] : memref<49152xi32, #tpu.memory_space<hbm>> -> memref<512xi32, #tpu.memory_space<hbm>>
    tpu.enqueue_dma source(%dma_start3A_29 : memref<512xi32, #tpu.memory_space<hbm>>) target(%dma_start3A_28 : memref<512xi32, #tpu.memory_space<vmem>>) target_semaphore(%arg9 : memref<!tpu.dma_semaphore, #tpu.memory_space<semaphore_mem>>)
    %mul3A_30 = arith.constant 512 : i32
    %mul3A_31 = arith.muli %add3A, %mul3A_30 : i32
    %add3A_32 = arith.constant 0 : i32
    %add3A_33 = arith.addi %add3A_32, %mul3A_31 : i32
    %dma_wait3A = arith.constant 0 : i32
    %dma_wait3A_34 = tpu.memref_slice %arg6[%dma_wait3A] : memref<1536xi32, #tpu.memory_space<vmem>> -> memref<512xi32, #tpu.memory_space<vmem>>
    %dma_wait3A_35 = tpu.memref_slice %arg4[%add3A_33] : memref<49152xi32, #tpu.memory_space<hbm>> -> memref<512xi32, #tpu.memory_space<hbm>>
    %dma_wait3A_36 = arith.constant 0 : i32
    %dma_wait3A_37 = tpu.memref_slice %arg6[%dma_wait3A_36] : memref<1536xi32, #tpu.memory_space<vmem>> -> memref<512xi32, #tpu.memory_space<vmem>>
    %dma_wait3A_38 = tpu.memref_slice %arg4[%add3A_33] : memref<49152xi32, #tpu.memory_space<hbm>> -> memref<512xi32, #tpu.memory_space<hbm>>
    tpu.wait_dma2 semaphore(%arg9 : memref<!tpu.dma_semaphore, #tpu.memory_space<semaphore_mem>>) src(%dma_wait3A_38 : memref<512xi32, #tpu.memory_space<hbm>>) dst(%dma_wait3A_37 : memref<512xi32, #tpu.memory_space<vmem>>)
    %mul3A_39 = arith.constant 512 : i32
    %mul3A_40 = arith.muli %add3A, %mul3A_39 : i32
    %add3A_41 = arith.constant 16384 : i32
    %add3A_42 = arith.addi %add3A_41, %mul3A_40 : i32
    %dma_wait3A_43 = arith.constant 512 : i32
    %dma_wait3A_44 = tpu.memref_slice %arg6[%dma_wait3A_43] : memref<1536xi32, #tpu.memory_space<vmem>> -> memref<512xi32, #tpu.memory_space<vmem>>
    %dma_wait3A_45 = tpu.memref_slice %arg4[%add3A_42] : memref<49152xi32, #tpu.memory_space<hbm>> -> memref<512xi32, #tpu.memory_space<hbm>>
    %dma_wait3A_46 = arith.constant 512 : i32
    %dma_wait3A_47 = tpu.memref_slice %arg6[%dma_wait3A_46] : memref<1536xi32, #tpu.memory_space<vmem>> -> memref<512xi32, #tpu.memory_space<vmem>>
    %dma_wait3A_48 = tpu.memref_slice %arg4[%add3A_42] : memref<49152xi32, #tpu.memory_space<hbm>> -> memref<512xi32, #tpu.memory_space<hbm>>
    tpu.wait_dma2 semaphore(%arg9 : memref<!tpu.dma_semaphore, #tpu.memory_space<semaphore_mem>>) src(%dma_wait3A_48 : memref<512xi32, #tpu.memory_space<hbm>>) dst(%dma_wait3A_47 : memref<512xi32, #tpu.memory_space<vmem>>)
    %mul3A_49 = arith.constant 512 : i32
    %mul3A_50 = arith.muli %add3A, %mul3A_49 : i32
    %add3A_51 = arith.constant 32768 : i32
    %add3A_52 = arith.addi %add3A_51, %mul3A_50 : i32
    %dma_wait3A_53 = arith.constant 1024 : i32
    %dma_wait3A_54 = tpu.memref_slice %arg6[%dma_wait3A_53] : memref<1536xi32, #tpu.memory_space<vmem>> -> memref<512xi32, #tpu.memory_space<vmem>>
    %dma_wait3A_55 = tpu.memref_slice %arg4[%add3A_52] : memref<49152xi32, #tpu.memory_space<hbm>> -> memref<512xi32, #tpu.memory_space<hbm>>
    %dma_wait3A_56 = arith.constant 1024 : i32
    %dma_wait3A_57 = tpu.memref_slice %arg6[%dma_wait3A_56] : memref<1536xi32, #tpu.memory_space<vmem>> -> memref<512xi32, #tpu.memory_space<vmem>>
    %dma_wait3A_58 = tpu.memref_slice %arg4[%add3A_52] : memref<49152xi32, #tpu.memory_space<hbm>> -> memref<512xi32, #tpu.memory_space<hbm>>
    tpu.wait_dma2 semaphore(%arg9 : memref<!tpu.dma_semaphore, #tpu.memory_space<semaphore_mem>>) src(%dma_wait3A_58 : memref<512xi32, #tpu.memory_space<hbm>>) dst(%dma_wait3A_57 : memref<512xi32, #tpu.memory_space<vmem>>)
    %dma_start3A_59 = arith.constant 0 : i32
    %dma_start3A_60 = arith.constant 0 : i32
    %dma_start3A_61 = arith.constant 0 : i32
    %dma_start3A_62 = arith.constant 0 : i32
    %dma_start3A_63 = tpu.memref_slice %arg7[%dma_start3A_59, %dma_start3A_60, %dma_start3A_61, %dma_start3A_62] : memref<2x3x128x128xf32, #tpu.memory_space<vmem>> -> memref<1x1x128x128xf32, #tpu.memory_space<vmem>>
    %dma_start3A_64 = tpu.memref_squeeze %dma_start3A_63 : memref<1x1x128x128xf32, #tpu.memory_space<vmem>> -> memref<128x128xf32, #tpu.memory_space<vmem>>
    %dma_start3A_65 = arith.constant 0 : i32
    %dma_start3A_66 = tpu.memref_slice %arg6[%dma_start3A_65] : memref<1536xi32, #tpu.memory_space<vmem>> -> memref<128xi32, #tpu.memory_space<vmem>>
    %dma_start3A_67 = arith.constant 0 : i32
    %dma_start3A_68 = arith.constant 0 : i32
    %dma_start3A_69 = tpu.memref_slice %arg2[%dma_start3A_67, %dma_start3A_68] : memref<100000x128xf32, #tpu.memory_space<hbm>> -> memref<100000x128xf32, #tpu.memory_space<hbm>>
    tpu.enqueue_indirect_dma source(%dma_start3A_69 : memref<100000x128xf32, #tpu.memory_space<hbm>>) target(%dma_start3A_64 : memref<128x128xf32, #tpu.memory_space<vmem>>) offsets(%dma_start3A_66 : memref<128xi32, #tpu.memory_space<vmem>>) semaphore(%arg9 : memref<!tpu.dma_semaphore, #tpu.memory_space<semaphore_mem>>)
    %dma_start3A_70 = arith.constant 0 : i32
    %dma_start3A_71 = arith.constant 1 : i32
    %dma_start3A_72 = arith.constant 0 : i32
    %dma_start3A_73 = arith.constant 0 : i32
    %dma_start3A_74 = tpu.memref_slice %arg7[%dma_start3A_70, %dma_start3A_71, %dma_start3A_72, %dma_start3A_73] : memref<2x3x128x128xf32, #tpu.memory_space<vmem>> -> memref<1x1x128x128xf32, #tpu.memory_space<vmem>>
    %dma_start3A_75 = tpu.memref_squeeze %dma_start3A_74 : memref<1x1x128x128xf32, #tpu.memory_space<vmem>> -> memref<128x128xf32, #tpu.memory_space<vmem>>
    %dma_start3A_76 = arith.constant 512 : i32
    %dma_start3A_77 = tpu.memref_slice %arg6[%dma_start3A_76] : memref<1536xi32, #tpu.memory_space<vmem>> -> memref<128xi32, #tpu.memory_space<vmem>>
    %dma_start3A_78 = arith.constant 0 : i32
    %dma_start3A_79 = arith.constant 0 : i32
    %dma_start3A_80 = tpu.memref_slice %arg3[%dma_start3A_78, %dma_start3A_79] : memref<100000x128xf32, #tpu.memory_space<hbm>> -> memref<100000x128xf32, #tpu.memory_space<hbm>>
    tpu.enqueue_indirect_dma source(%dma_start3A_80 : memref<100000x128xf32, #tpu.memory_space<hbm>>) target(%dma_start3A_75 : memref<128x128xf32, #tpu.memory_space<vmem>>) offsets(%dma_start3A_77 : memref<128xi32, #tpu.memory_space<vmem>>) semaphore(%arg9 : memref<!tpu.dma_semaphore, #tpu.memory_space<semaphore_mem>>)
    %dma_start3A_81 = arith.constant 0 : i32
    %dma_start3A_82 = arith.constant 2 : i32
    %dma_start3A_83 = arith.constant 0 : i32
    %dma_start3A_84 = arith.constant 0 : i32
    %dma_start3A_85 = tpu.memref_slice %arg7[%dma_start3A_81, %dma_start3A_82, %dma_start3A_83, %dma_start3A_84] : memref<2x3x128x128xf32, #tpu.memory_space<vmem>> -> memref<1x1x128x128xf32, #tpu.memory_space<vmem>>
    %dma_start3A_86 = tpu.memref_squeeze %dma_start3A_85 : memref<1x1x128x128xf32, #tpu.memory_space<vmem>> -> memref<128x128xf32, #tpu.memory_space<vmem>>
    %dma_start3A_87 = arith.constant 1024 : i32
    %dma_start3A_88 = tpu.memref_slice %arg6[%dma_start3A_87] : memref<1536xi32, #tpu.memory_space<vmem>> -> memref<128xi32, #tpu.memory_space<vmem>>
    %dma_start3A_89 = arith.constant 0 : i32
    %dma_start3A_90 = arith.constant 0 : i32
    %dma_start3A_91 = tpu.memref_slice %arg2[%dma_start3A_89, %dma_start3A_90] : memref<100000x128xf32, #tpu.memory_space<hbm>> -> memref<100000x128xf32, #tpu.memory_space<hbm>>
    tpu.enqueue_indirect_dma source(%dma_start3A_91 : memref<100000x128xf32, #tpu.memory_space<hbm>>) target(%dma_start3A_86 : memref<128x128xf32, #tpu.memory_space<vmem>>) offsets(%dma_start3A_88 : memref<128xi32, #tpu.memory_space<vmem>>) semaphore(%arg9 : memref<!tpu.dma_semaphore, #tpu.memory_space<semaphore_mem>>)
    %dma_start3A_92 = arith.constant 1 : i32
    %dma_start3A_93 = arith.constant 0 : i32
    %dma_start3A_94 = arith.constant 0 : i32
    %dma_start3A_95 = arith.constant 0 : i32
    %dma_start3A_96 = tpu.memref_slice %arg7[%dma_start3A_92, %dma_start3A_93, %dma_start3A_94, %dma_start3A_95] : memref<2x3x128x128xf32, #tpu.memory_space<vmem>> -> memref<1x1x128x128xf32, #tpu.memory_space<vmem>>
    %dma_start3A_97 = tpu.memref_squeeze %dma_start3A_96 : memref<1x1x128x128xf32, #tpu.memory_space<vmem>> -> memref<128x128xf32, #tpu.memory_space<vmem>>
    %dma_start3A_98 = arith.constant 128 : i32
    %dma_start3A_99 = tpu.memref_slice %arg6[%dma_start3A_98] : memref<1536xi32, #tpu.memory_space<vmem>> -> memref<128xi32, #tpu.memory_space<vmem>>
    %dma_start3A_100 = arith.constant 0 : i32
    %dma_start3A_101 = arith.constant 0 : i32
    %dma_start3A_102 = tpu.memref_slice %arg2[%dma_start3A_100, %dma_start3A_101] : memref<100000x128xf32, #tpu.memory_space<hbm>> -> memref<100000x128xf32, #tpu.memory_space<hbm>>
    tpu.enqueue_indirect_dma source(%dma_start3A_102 : memref<100000x128xf32, #tpu.memory_space<hbm>>) target(%dma_start3A_97 : memref<128x128xf32, #tpu.memory_space<vmem>>) offsets(%dma_start3A_99 : memref<128xi32, #tpu.memory_space<vmem>>) semaphore(%arg10 : memref<!tpu.dma_semaphore, #tpu.memory_space<semaphore_mem>>)
    %dma_start3A_103 = arith.constant 1 : i32
    %dma_start3A_104 = arith.constant 1 : i32
    %dma_start3A_105 = arith.constant 0 : i32
    %dma_start3A_106 = arith.constant 0 : i32
    %dma_start3A_107 = tpu.memref_slice %arg7[%dma_start3A_103, %dma_start3A_104, %dma_start3A_105, %dma_start3A_106] : memref<2x3x128x128xf32, #tpu.memory_space<vmem>> -> memref<1x1x128x128xf32, #tpu.memory_space<vmem>>
    %dma_start3A_108 = tpu.memref_squeeze %dma_start3A_107 : memref<1x1x128x128xf32, #tpu.memory_space<vmem>> -> memref<128x128xf32, #tpu.memory_space<vmem>>
    %dma_start3A_109 = arith.constant 640 : i32
    %dma_start3A_110 = tpu.memref_slice %arg6[%dma_start3A_109] : memref<1536xi32, #tpu.memory_space<vmem>> -> memref<128xi32, #tpu.memory_space<vmem>>
    %dma_start3A_111 = arith.constant 0 : i32
    %dma_start3A_112 = arith.constant 0 : i32
    %dma_start3A_113 = tpu.memref_slice %arg3[%dma_start3A_111, %dma_start3A_112] : memref<100000x128xf32, #tpu.memory_space<hbm>> -> memref<100000x128xf32, #tpu.memory_space<hbm>>
    tpu.enqueue_indirect_dma source(%dma_start3A_113 : memref<100000x128xf32, #tpu.memory_space<hbm>>) target(%dma_start3A_108 : memref<128x128xf32, #tpu.memory_space<vmem>>) offsets(%dma_start3A_110 : memref<128xi32, #tpu.memory_space<vmem>>) semaphore(%arg10 : memref<!tpu.dma_semaphore, #tpu.memory_space<semaphore_mem>>)
    %dma_start3A_114 = arith.constant 1 : i32
    %dma_start3A_115 = arith.constant 2 : i32
    %dma_start3A_116 = arith.constant 0 : i32
    %dma_start3A_117 = arith.constant 0 : i32
    %dma_start3A_118 = tpu.memref_slice %arg7[%dma_start3A_114, %dma_start3A_115, %dma_start3A_116, %dma_start3A_117] : memref<2x3x128x128xf32, #tpu.memory_space<vmem>> -> memref<1x1x128x128xf32, #tpu.memory_space<vmem>>
    %dma_start3A_119 = tpu.memref_squeeze %dma_start3A_118 : memref<1x1x128x128xf32, #tpu.memory_space<vmem>> -> memref<128x128xf32, #tpu.memory_space<vmem>>
    %dma_start3A_120 = arith.constant 1152 : i32
    %dma_start3A_121 = tpu.memref_slice %arg6[%dma_start3A_120] : memref<1536xi32, #tpu.memory_space<vmem>> -> memref<128xi32, #tpu.memory_space<vmem>>
    %dma_start3A_122 = arith.constant 0 : i32
    %dma_start3A_123 = arith.constant 0 : i32
    %dma_start3A_124 = tpu.memref_slice %arg2[%dma_start3A_122, %dma_start3A_123] : memref<100000x128xf32, #tpu.memory_space<hbm>> -> memref<100000x128xf32, #tpu.memory_space<hbm>>
    tpu.enqueue_indirect_dma source(%dma_start3A_124 : memref<100000x128xf32, #tpu.memory_space<hbm>>) target(%dma_start3A_119 : memref<128x128xf32, #tpu.memory_space<vmem>>) offsets(%dma_start3A_121 : memref<128xi32, #tpu.memory_space<vmem>>) semaphore(%arg10 : memref<!tpu.dma_semaphore, #tpu.memory_space<semaphore_mem>>)
    %broadcast_in_dim3A = arith.constant 0.000000e+00 : f32
    %broadcast_in_dim3A_125 = vector.broadcast %broadcast_in_dim3A : f32 to vector<16xf32>
    %broadcast_in_dim3A_126 = arith.constant 0.000000e+00 : f32
    %broadcast_in_dim3A_127 = vector.broadcast %broadcast_in_dim3A_126 : f32 to vector<16xf32>
    %broadcast_in_dim3A_128 = arith.constant 0.000000e+00 : f32
    %broadcast_in_dim3A_129 = vector.broadcast %broadcast_in_dim3A_128 : f32 to vector<16xf32>
    %broadcast_in_dim3A_130 = arith.constant 0.000000e+00 : f32
    %broadcast_in_dim3A_131 = vector.broadcast %broadcast_in_dim3A_130 : f32 to vector<16xf32>
    %broadcast_in_dim3A_132 = arith.constant 0.000000e+00 : f32
    %broadcast_in_dim3A_133 = vector.broadcast %broadcast_in_dim3A_132 : f32 to vector<16xf32>
    %broadcast_in_dim3A_134 = arith.constant 0.000000e+00 : f32
    %broadcast_in_dim3A_135 = vector.broadcast %broadcast_in_dim3A_134 : f32 to vector<16xf32>
    %broadcast_in_dim3A_136 = arith.constant 0.000000e+00 : f32
    %broadcast_in_dim3A_137 = vector.broadcast %broadcast_in_dim3A_136 : f32 to vector<16xf32>
    %broadcast_in_dim3A_138 = arith.constant 0.000000e+00 : f32
    %broadcast_in_dim3A_139 = vector.broadcast %broadcast_in_dim3A_138 : f32 to vector<16xf32>
    %dma_wait3A_140 = arith.constant 0 : i32
    %dma_wait3A_141 = arith.constant 0 : i32
    %dma_wait3A_142 = arith.constant 0 : i32
    %dma_wait3A_143 = arith.constant 0 : i32
    %dma_wait3A_144 = tpu.memref_slice %arg7[%dma_wait3A_140, %dma_wait3A_141, %dma_wait3A_142, %dma_wait3A_143] : memref<2x3x128x128xf32, #tpu.memory_space<vmem>> -> memref<1x1x128x128xf32, #tpu.memory_space<vmem>>
    %dma_wait3A_145 = tpu.memref_squeeze %dma_wait3A_144 : memref<1x1x128x128xf32, #tpu.memory_space<vmem>> -> memref<128x128xf32, #tpu.memory_space<vmem>>
    %dma_wait3A_146 = arith.constant 0 : i32
    %dma_wait3A_147 = tpu.memref_slice %arg6[%dma_wait3A_146] : memref<1536xi32, #tpu.memory_space<vmem>> -> memref<128xi32, #tpu.memory_space<vmem>>
    %dma_wait3A_148 = arith.constant 0 : i32
    %dma_wait3A_149 = arith.constant 0 : i32
    %dma_wait3A_150 = tpu.memref_slice %arg2[%dma_wait3A_148, %dma_wait3A_149] : memref<100000x128xf32, #tpu.memory_space<hbm>> -> memref<100000x128xf32, #tpu.memory_space<hbm>>
    tpu.wait_indirect_dma semaphore(%arg9 : memref<!tpu.dma_semaphore, #tpu.memory_space<semaphore_mem>>) src(%dma_wait3A_150 : memref<100000x128xf32, #tpu.memory_space<hbm>>) dst(%dma_wait3A_145 : memref<128x128xf32, #tpu.memory_space<vmem>>)
    %dma_wait3A_151 = arith.constant 0 : i32
    %dma_wait3A_152 = arith.constant 1 : i32
    %dma_wait3A_153 = arith.constant 0 : i32
    %dma_wait3A_154 = arith.constant 0 : i32
    %dma_wait3A_155 = tpu.memref_slice %arg7[%dma_wait3A_151, %dma_wait3A_152, %dma_wait3A_153, %dma_wait3A_154] : memref<2x3x128x128xf32, #tpu.memory_space<vmem>> -> memref<1x1x128x128xf32, #tpu.memory_space<vmem>>
    %dma_wait3A_156 = tpu.memref_squeeze %dma_wait3A_155 : memref<1x1x128x128xf32, #tpu.memory_space<vmem>> -> memref<128x128xf32, #tpu.memory_space<vmem>>
    %dma_wait3A_157 = arith.constant 512 : i32
    %dma_wait3A_158 = tpu.memref_slice %arg6[%dma_wait3A_157] : memref<1536xi32, #tpu.memory_space<vmem>> -> memref<128xi32, #tpu.memory_space<vmem>>
    %dma_wait3A_159 = arith.constant 0 : i32
    %dma_wait3A_160 = arith.constant 0 : i32
    %dma_wait3A_161 = tpu.memref_slice %arg3[%dma_wait3A_159, %dma_wait3A_160] : memref<100000x128xf32, #tpu.memory_space<hbm>> -> memref<100000x128xf32, #tpu.memory_space<hbm>>
    tpu.wait_indirect_dma semaphore(%arg9 : memref<!tpu.dma_semaphore, #tpu.memory_space<semaphore_mem>>) src(%dma_wait3A_161 : memref<100000x128xf32, #tpu.memory_space<hbm>>) dst(%dma_wait3A_156 : memref<128x128xf32, #tpu.memory_space<vmem>>)
    %dma_wait3A_162 = arith.constant 0 : i32
    %dma_wait3A_163 = arith.constant 2 : i32
    %dma_wait3A_164 = arith.constant 0 : i32
    %dma_wait3A_165 = arith.constant 0 : i32
    %dma_wait3A_166 = tpu.memref_slice %arg7[%dma_wait3A_162, %dma_wait3A_163, %dma_wait3A_164, %dma_wait3A_165] : memref<2x3x128x128xf32, #tpu.memory_space<vmem>> -> memref<1x1x128x128xf32, #tpu.memory_space<vmem>>
    %dma_wait3A_167 = tpu.memref_squeeze %dma_wait3A_166 : memref<1x1x128x128xf32, #tpu.memory_space<vmem>> -> memref<128x128xf32, #tpu.memory_space<vmem>>
    %dma_wait3A_168 = arith.constant 1024 : i32
    %dma_wait3A_169 = tpu.memref_slice %arg6[%dma_wait3A_168] : memref<1536xi32, #tpu.memory_space<vmem>> -> memref<128xi32, #tpu.memory_space<vmem>>
    %dma_wait3A_170 = arith.constant 0 : i32
    %dma_wait3A_171 = arith.constant 0 : i32
    %dma_wait3A_172 = tpu.memref_slice %arg2[%dma_wait3A_170, %dma_wait3A_171] : memref<100000x128xf32, #tpu.memory_space<hbm>> -> memref<100000x128xf32, #tpu.memory_space<hbm>>
    tpu.wait_indirect_dma semaphore(%arg9 : memref<!tpu.dma_semaphore, #tpu.memory_space<semaphore_mem>>) src(%dma_wait3A_172 : memref<100000x128xf32, #tpu.memory_space<hbm>>) dst(%dma_wait3A_167 : memref<128x128xf32, #tpu.memory_space<vmem>>)
    %scan3A = arith.constant 0 : i32
    %get3A = arith.constant 0 : i32
    %get3A_173 = arith.constant 0 : i32
    %get3A_174 = arith.index_cast %get3A : i32 to index
    %get3A_175 = arith.index_cast %get3A_173 : i32 to index
    %get3A_176 = arith.index_cast %scan3A : i32 to index
    %get3A_177 = arith.constant 0 : index
    %get3A_178 = tpu.vector_load %arg7[%get3A_174, %get3A_175, %get3A_176, %get3A_177] {strides = array<i32>} : memref<2x3x128x128xf32, #tpu.memory_space<vmem>>, vector<1x1x1x16xf32>,
    %get3A_179 = vector.shape_cast %get3A_178 : vector<1x1x1x16xf32> to vector<16xf32>
    %get3A_180 = arith.constant 0 : i32
    %get3A_181 = arith.constant 1 : i32
    %get3A_182 = arith.index_cast %get3A_180 : i32 to index
    %get3A_183 = arith.index_cast %get3A_181 : i32 to index
    %get3A_184 = arith.index_cast %scan3A : i32 to index
    %get3A_185 = arith.constant 0 : index
    %get3A_186 = tpu.vector_load %arg7[%get3A_182, %get3A_183, %get3A_184, %get3A_185] {strides = array<i32>} : memref<2x3x128x128xf32, #tpu.memory_space<vmem>>, vector<1x1x1x16xf32>,
    %get3A_187 = vector.shape_cast %get3A_186 : vector<1x1x1x16xf32> to vector<16xf32>
    %get3A_188 = arith.constant 0 : i32
    %get3A_189 = arith.constant 2 : i32
    %get3A_190 = arith.index_cast %get3A_188 : i32 to index
    %get3A_191 = arith.index_cast %get3A_189 : i32 to index
    %get3A_192 = arith.index_cast %scan3A : i32 to index
    %get3A_193 = arith.constant 0 : index
    %get3A_194 = tpu.vector_load %arg7[%get3A_190, %get3A_191, %get3A_192, %get3A_193] {strides = array<i32>} : memref<2x3x128x128xf32, #tpu.memory_space<vmem>>, vector<1x1x1x16xf32>,
    %get3A_195 = vector.shape_cast %get3A_194 : vector<1x1x1x16xf32> to vector<16xf32>
    %add3A_196 = arith.addf %get3A_179, %get3A_187 : vector<16xf32>
    %sub3A = arith.subf %add3A_196, %get3A_195 : vector<16xf32>
    %mul3A_197 = arith.mulf %sub3A, %sub3A : vector<16xf32>
    %add3A_198 = arith.addf %broadcast_in_dim3A_125, %mul3A_197 : vector<16xf32>
    %get3A_199 = arith.constant 0 : i32
    %get3A_200 = arith.constant 0 : i32
    %get3A_201 = arith.index_cast %get3A_199 : i32 to index
    %get3A_202 = arith.index_cast %get3A_200 : i32 to index
    %get3A_203 = arith.index_cast %scan3A : i32 to index
    %get3A_204 = arith.constant 16 : index
    %get3A_205 = tpu.vector_load %arg7[%get3A_201, %get3A_202, %get3A_203, %get3A_204] {strides = array<i32>} : memref<2x3x128x128xf32, #tpu.memory_space<vmem>>, vector<1x1x1x16xf32>,
    %get3A_206 = vector.shape_cast %get3A_205 : vector<1x1x1x16xf32> to vector<16xf32>
    %get3A_207 = arith.constant 0 : i32
    %get3A_208 = arith.constant 1 : i32
    %get3A_209 = arith.index_cast %get3A_207 : i32 to index
    %get3A_210 = arith.index_cast %get3A_208 : i32 to index
    %get3A_211 = arith.index_cast %scan3A : i32 to index
    %get3A_212 = arith.constant 16 : index
    %get3A_213 = tpu.vector_load %arg7[%get3A_209, %get3A_210, %get3A_211, %get3A_212] {strides = array<i32>} : memref<2x3x128x128xf32, #tpu.memory_space<vmem>>, vector<1x1x1x16xf32>,
    %get3A_214 = vector.shape_cast %get3A_213 : vector<1x1x1x16xf32> to vector<16xf32>
    %get3A_215 = arith.constant 0 : i32
    %get3A_216 = arith.constant 2 : i32
    %get3A_217 = arith.index_cast %get3A_215 : i32 to index
    %get3A_218 = arith.index_cast %get3A_216 : i32 to index
    %get3A_219 = arith.index_cast %scan3A : i32 to index
    %get3A_220 = arith.constant 16 : index
    %get3A_221 = tpu.vector_load %arg7[%get3A_217, %get3A_218, %get3A_219, %get3A_220] {strides = array<i32>} : memref<2x3x128x128xf32, #tpu.memory_space<vmem>>, vector<1x1x1x16xf32>,
    %get3A_222 = vector.shape_cast %get3A_221 : vector<1x1x1x16xf32> to vector<16xf32>
    %add3A_223 = arith.addf %get3A_206, %get3A_214 : vector<16xf32>
    %sub3A_224 = arith.subf %add3A_223, %get3A_222 : vector<16xf32>
    %mul3A_225 = arith.mulf %sub3A_224, %sub3A_224 : vector<16xf32>
    %add3A_226 = arith.addf %broadcast_in_dim3A_127, %mul3A_225 : vector<16xf32>
    %get3A_227 = arith.constant 0 : i32
    %get3A_228 = arith.constant 0 : i32
    %get3A_229 = arith.index_cast %get3A_227 : i32 to index
    %get3A_230 = arith.index_cast %get3A_228 : i32 to index
    %get3A_231 = arith.index_cast %scan3A : i32 to index
    %get3A_232 = arith.constant 32 : index
    %get3A_233 = tpu.vector_load %arg7[%get3A_229, %get3A_230, %get3A_231, %get3A_232] {strides = array<i32>} : memref<2x3x128x128xf32, #tpu.memory_space<vmem>>, vector<1x1x1x16xf32>,
    %get3A_234 = vector.shape_cast %get3A_233 : vector<1x1x1x16xf32> to vector<16xf32>
    %get3A_235 = arith.constant 0 : i32
    %get3A_236 = arith.constant 1 : i32
    %get3A_237 = arith.index_cast %get3A_235 : i32 to index
    %get3A_238 = arith.index_cast %get3A_236 : i32 to index
    %get3A_239 = arith.index_cast %scan3A : i32 to index
    %get3A_240 = arith.constant 32 : index
    %get3A_241 = tpu.vector_load %arg7[%get3A_237, %get3A_238, %get3A_239, %get3A_240] {strides = array<i32>} : memref<2x3x128x128xf32, #tpu.memory_space<vmem>>, vector<1x1x1x16xf32>,
    %get3A_242 = vector.shape_cast %get3A_241 : vector<1x1x1x16xf32> to vector<16xf32>
    %get3A_243 = arith.constant 0 : i32
    %get3A_244 = arith.constant 2 : i32
    %get3A_245 = arith.index_cast %get3A_243 : i32 to index
    %get3A_246 = arith.index_cast %get3A_244 : i32 to index
    %get3A_247 = arith.index_cast %scan3A : i32 to index
    %get3A_248 = arith.constant 32 : index
    %get3A_249 = tpu.vector_load %arg7[%get3A_245, %get3A_246, %get3A_247, %get3A_248] {strides = array<i32>} : memref<2x3x128x128xf32, #tpu.memory_space<vmem>>, vector<1x1x1x16xf32>,
    %get3A_250 = vector.shape_cast %get3A_249 : vector<1x1x1x16xf32> to vector<16xf32>
    %add3A_251 = arith.addf %get3A_234, %get3A_242 : vector<16xf32>
    %sub3A_252 = arith.subf %add3A_251, %get3A_250 : vector<16xf32>
    %mul3A_253 = arith.mulf %sub3A_252, %sub3A_252 : vector<16xf32>
    %add3A_254 = arith.addf %broadcast_in_dim3A_129, %mul3A_253 : vector<16xf32>
    %get3A_255 = arith.constant 0 : i32
    %get3A_256 = arith.constant 0 : i32
    %get3A_257 = arith.index_cast %get3A_255 : i32 to index
    %get3A_258 = arith.index_cast %get3A_256 : i32 to index
    %get3A_259 = arith.index_cast %scan3A : i32 to index
    %get3A_260 = arith.constant 48 : index
    %get3A_261 = tpu.vector_load %arg7[%get3A_257, %get3A_258, %get3A_259, %get3A_260] {strides = array<i32>} : memref<2x3x128x128xf32, #tpu.memory_space<vmem>>, vector<1x1x1x16xf32>,
    %get3A_262 = vector.shape_cast %get3A_261 : vector<1x1x1x16xf32> to vector<16xf32>
    %get3A_263 = arith.constant 0 : i32
    %get3A_264 = arith.constant 1 : i32
    %get3A_265 = arith.index_cast %get3A_263 : i32 to index
    %get3A_266 = arith.index_cast %get3A_264 : i32 to index
    %get3A_267 = arith.index_cast %scan3A : i32 to index
    %get3A_268 = arith.constant 48 : index
    %get3A_269 = tpu.vector_load %arg7[%get3A_265, %get3A_266, %get3A_267, %get3A_268] {strides = array<i32>} : memref<2x3x128x128xf32, #tpu.memory_space<vmem>>, vector<1x1x1x16xf32>,
    %get3A_270 = vector.shape_cast %get3A_269 : vector<1x1x1x16xf32> to vector<16xf32>
    %get3A_271 = arith.constant 0 : i32
    %get3A_272 = arith.constant 2 : i32
    %get3A_273 = arith.index_cast %get3A_271 : i32 to index
    %get3A_274 = arith.index_cast %get3A_272 : i32 to index
    %get3A_275 = arith.index_cast %scan3A : i32 to index
    %get3A_276 = arith.constant 48 : index
    %get3A_277 = tpu.vector_load %arg7[%get3A_273, %get3A_274, %get3A_275, %get3A_276] {strides = array<i32>} : memref<2x3x128x128xf32, #tpu.memory_space<vmem>>, vector<1x1x1x16xf32>,
    %get3A_278 = vector.shape_cast %get3A_277 : vector<1x1x1x16xf32> to vector<16xf32>
    %add3A_279 = arith.addf %get3A_262, %get3A_270 : vector<16xf32>
    %sub3A_280 = arith.subf %add3A_279, %get3A_278 : vector<16xf32>
    %mul3A_281 = arith.mulf %sub3A_280, %sub3A_280 : vector<16xf32>
    %add3A_282 = arith.addf %broadcast_in_dim3A_131, %mul3A_281 : vector<16xf32>
    %get3A_283 = arith.constant 0 : i32
    %get3A_284 = arith.constant 0 : i32
    %get3A_285 = arith.index_cast %get3A_283 : i32 to index
    %get3A_286 = arith.index_cast %get3A_284 : i32 to index
    %get3A_287 = arith.index_cast %scan3A : i32 to index
    %get3A_288 = arith.constant 64 : index
    %get3A_289 = tpu.vector_load %arg7[%get3A_285, %get3A_286, %get3A_287, %get3A_288] {strides = array<i32>} : memref<2x3x128x128xf32, #tpu.memory_space<vmem>>, vector<1x1x1x16xf32>,
    %get3A_290 = vector.shape_cast %get3A_289 : vector<1x1x1x16xf32> to vector<16xf32>
    %get3A_291 = arith.constant 0 : i32
    %get3A_292 = arith.constant 1 : i32
    %get3A_293 = arith.index_cast %get3A_291 : i32 to index
    %get3A_294 = arith.index_cast %get3A_292 : i32 to index
    %get3A_295 = arith.index_cast %scan3A : i32 to index
    %get3A_296 = arith.constant 64 : index
    %get3A_297 = tpu.vector_load %arg7[%get3A_293, %get3A_294, %get3A_295, %get3A_296] {strides = array<i32>} : memref<2x3x128x128xf32, #tpu.memory_space<vmem>>, vector<1x1x1x16xf32>,
    %get3A_298 = vector.shape_cast %get3A_297 : vector<1x1x1x16xf32> to vector<16xf32>
    %get3A_299 = arith.constant 0 : i32
    %get3A_300 = arith.constant 2 : i32
    %get3A_301 = arith.index_cast %get3A_299 : i32 to index
    %get3A_302 = arith.index_cast %get3A_300 : i32 to index
    %get3A_303 = arith.index_cast %scan3A : i32 to index
    %get3A_304 = arith.constant 64 : index
    %get3A_305 = tpu.vector_load %arg7[%get3A_301, %get3A_302, %get3A_303, %get3A_304] {strides = array<i32>} : memref<2x3x128x128xf32, #tpu.memory_space<vmem>>, vector<1x1x1x16xf32>,
    %get3A_306 = vector.shape_cast %get3A_305 : vector<1x1x1x16xf32> to vector<16xf32>
    %add3A_307 = arith.addf %get3A_290, %get3A_298 : vector<16xf32>
    %sub3A_308 = arith.subf %add3A_307, %get3A_306 : vector<16xf32>
    %mul3A_309 = arith.mulf %sub3A_308, %sub3A_308 : vector<16xf32>
    %add3A_310 = arith.addf %broadcast_in_dim3A_133, %mul3A_309 : vector<16xf32>
    %get3A_311 = arith.constant 0 : i32
    %get3A_312 = arith.constant 0 : i32
    %get3A_313 = arith.index_cast %get3A_311 : i32 to index
    %get3A_314 = arith.index_cast %get3A_312 : i32 to index
    %get3A_315 = arith.index_cast %scan3A : i32 to index
    %get3A_316 = arith.constant 80 : index
    %get3A_317 = tpu.vector_load %arg7[%get3A_313, %get3A_314, %get3A_315, %get3A_316] {strides = array<i32>} : memref<2x3x128x128xf32, #tpu.memory_space<vmem>>, vector<1x1x1x16xf32>,
    %get3A_318 = vector.shape_cast %get3A_317 : vector<1x1x1x16xf32> to vector<16xf32>
    %get3A_319 = arith.constant 0 : i32
    %get3A_320 = arith.constant 1 : i32
    %get3A_321 = arith.index_cast %get3A_319 : i32 to index
    %get3A_322 = arith.index_cast %get3A_320 : i32 to index
    %get3A_323 = arith.index_cast %scan3A : i32 to index
    %get3A_324 = arith.constant 80 : index
    %get3A_325 = tpu.vector_load %arg7[%get3A_321, %get3A_322, %get3A_323, %get3A_324] {strides = array<i32>} : memref<2x3x128x128xf32, #tpu.memory_space<vmem>>, vector<1x1x1x16xf32>,
    %get3A_326 = vector.shape_cast %get3A_325 : vector<1x1x1x16xf32> to vector<16xf32>
    %get3A_327 = arith.constant 0 : i32
    %get3A_328 = arith.constant 2 : i32
    %get3A_329 = arith.index_cast %get3A_327 : i32 to index
    %get3A_330 = arith.index_cast %get3A_328 : i32 to index
    %get3A_331 = arith.index_cast %scan3A : i32 to index
    %get3A_332 = arith.constant 80 : index
    %get3A_333 = tpu.vector_load %arg7[%get3A_329, %get3A_330, %get3A_331, %get3A_332] {strides = array<i32>} : memref<2x3x128x128xf32, #tpu.memory_space<vmem>>, vector<1x1x1x16xf32>,
    %get3A_334 = vector.shape_cast %get3A_333 : vector<1x1x1x16xf32> to vector<16xf32>
    %add3A_335 = arith.addf %get3A_318, %get3A_326 : vector<16xf32>
    %sub3A_336 = arith.subf %add3A_335, %get3A_334 : vector<16xf32>
    %mul3A_337 = arith.mulf %sub3A_336, %sub3A_336 : vector<16xf32>
    %add3A_338 = arith.addf %broadcast_in_dim3A_135, %mul3A_337 : vector<16xf32>
    %get3A_339 = arith.constant 0 : i32
    %get3A_340 = arith.constant 0 : i32
    %get3A_341 = arith.index_cast %get3A_339 : i32 to index
    %get3A_342 = arith.index_cast %get3A_340 : i32 to index
    %get3A_343 = arith.index_cast %scan3A : i32 to index
    %get3A_344 = arith.constant 96 : index
    %get3A_345 = tpu.vector_load %arg7[%get3A_341, %get3A_342, %get3A_343, %get3A_344] {strides = array<i32>} : memref<2x3x128x128xf32, #tpu.memory_space<vmem>>, vector<1x1x1x16xf32>,
    %get3A_346 = vector.shape_cast %get3A_345 : vector<1x1x1x16xf32> to vector<16xf32>
    %get3A_347 = arith.constant 0 : i32
    %get3A_348 = arith.constant 1 : i32
    %get3A_349 = arith.index_cast %get3A_347 : i32 to index
    %get3A_350 = arith.index_cast %get3A_348 : i32 to index
    %get3A_351 = arith.index_cast %scan3A : i32 to index
    %get3A_352 = arith.constant 96 : index
    %get3A_353 = tpu.vector_load %arg7[%get3A_349, %get3A_350, %get3A_351, %get3A_352] {strides = array<i32>} : memref<2x3x128x128xf32, #tpu.memory_space<vmem>>, vector<1x1x1x16xf32>,
    %get3A_354 = vector.shape_cast %get3A_353 : vector<1x1x1x16xf32> to vector<16xf32>
    %get3A_355 = arith.constant 0 : i32
    %get3A_356 = arith.constant 2 : i32
    %get3A_357 = arith.index_cast %get3A_355 : i32 to index
    %get3A_358 = arith.index_cast %get3A_356 : i32 to index
    %get3A_359 = arith.index_cast %scan3A : i32 to index
    %get3A_360 = arith.constant 96 : index
    %get3A_361 = tpu.vector_load %arg7[%get3A_357, %get3A_358, %get3A_359, %get3A_360] {strides = array<i32>} : memref<2x3x128x128xf32, #tpu.memory_space<vmem>>, vector<1x1x1x16xf32>,
    %get3A_362 = vector.shape_cast %get3A_361 : vector<1x1x1x16xf32> to vector<16xf32>
    %add3A_363 = arith.addf %get3A_346, %get3A_354 : vector<16xf32>
    %sub3A_364 = arith.subf %add3A_363, %get3A_362 : vector<16xf32>
    %mul3A_365 = arith.mulf %sub3A_364, %sub3A_364 : vector<16xf32>
    %add3A_366 = arith.addf %broadcast_in_dim3A_137, %mul3A_365 : vector<16xf32>
    %get3A_367 = arith.constant 0 : i32
    %get3A_368 = arith.constant 0 : i32
    %get3A_369 = arith.index_cast %get3A_367 : i32 to index
    %get3A_370 = arith.index_cast %get3A_368 : i32 to index
    %get3A_371 = arith.index_cast %scan3A : i32 to index
    %get3A_372 = arith.constant 112 : index
    %get3A_373 = tpu.vector_load %arg7[%get3A_369, %get3A_370, %get3A_371, %get3A_372] {strides = array<i32>} : memref<2x3x128x128xf32, #tpu.memory_space<vmem>>, vector<1x1x1x16xf32>,
    %get3A_374 = vector.shape_cast %get3A_373 : vector<1x1x1x16xf32> to vector<16xf32>
    %get3A_375 = arith.constant 0 : i32
    %get3A_376 = arith.constant 1 : i32
    %get3A_377 = arith.index_cast %get3A_375 : i32 to index
    %get3A_378 = arith.index_cast %get3A_376 : i32 to index
    %get3A_379 = arith.index_cast %scan3A : i32 to index
    %get3A_380 = arith.constant 112 : index
    %get3A_381 = tpu.vector_load %arg7[%get3A_377, %get3A_378, %get3A_379, %get3A_380] {strides = array<i32>} : memref<2x3x128x128xf32, #tpu.memory_space<vmem>>, vector<1x1x1x16xf32>,
    %get3A_382 = vector.shape_cast %get3A_381 : vector<1x1x1x16xf32> to vector<16xf32>
    %get3A_383 = arith.constant 0 : i32
    %get3A_384 = arith.constant 2 : i32
    %get3A_385 = arith.index_cast %get3A_383 : i32 to index
    %get3A_386 = arith.index_cast %get3A_384 : i32 to index
    %get3A_387 = arith.index_cast %scan3A : i32 to index
    %get3A_388 = arith.constant 112 : index
    %get3A_389 = tpu.vector_load %arg7[%get3A_385, %get3A_386, %get3A_387, %get3A_388] {strides = array<i32>} : memref<2x3x128x128xf32, #tpu.memory_space<vmem>>, vector<1x1x1x16xf32>,
    %get3A_390 = vector.shape_cast %get3A_389 : vector<1x1x1x16xf32> to vector<16xf32>
    %add3A_391 = arith.addf %get3A_374, %get3A_382 : vector<16xf32>
    %sub3A_392 = arith.subf %add3A_391, %get3A_390 : vector<16xf32>
    %mul3A_393 = arith.mulf %sub3A_392, %sub3A_392 : vector<16xf32>
    %add3A_394 = arith.addf %broadcast_in_dim3A_139, %mul3A_393 : vector<16xf32>
    %scan3A_395 = arith.constant 1 : i32
    %dma_start3A_396 = arith.constant 0 : i32
    %dma_start3A_397 = arith.constant 0 : i32
    %dma_start3A_398 = arith.constant 0 : i32
    %dma_start3A_399 = arith.constant 0 : i32
    %dma_start3A_400 = tpu.memref_slice %arg7[%dma_start3A_396, %dma_start3A_397, %dma_start3A_398, %dma_start3A_399] : memref<2x3x128x128xf32, #tpu.memory_space<vmem>> -> memref<1x1x128x128xf32, #tpu.memory_space<vmem>>
    %dma_start3A_401 = tpu.memref_squeeze %dma_start3A_400 : memref<1x1x128x128xf32, #tpu.memory_space<vmem>> -> memref<128x128xf32, #tpu.memory_space<vmem>>
    %dma_start3A_402 = arith.constant 256 : i32
    %dma_start3A_403 = tpu.memref_slice %arg6[%dma_start3A_402] : memref<1536xi32, #tpu.memory_space<vmem>> -> memref<128xi32, #tpu.memory_space<vmem>>
    %dma_start3A_404 = arith.constant 0 : i32
    %dma_start3A_405 = arith.constant 0 : i32
    %dma_start3A_406 = tpu.memref_slice %arg2[%dma_start3A_404, %dma_start3A_405] : memref<100000x128xf32, #tpu.memory_space<hbm>> -> memref<100000x128xf32, #tpu.memory_space<hbm>>
    tpu.enqueue_indirect_dma source(%dma_start3A_406 : memref<100000x128xf32, #tpu.memory_space<hbm>>) target(%dma_start3A_401 : memref<128x128xf32, #tpu.memory_space<vmem>>) offsets(%dma_start3A_403 : memref<128xi32, #tpu.memory_space<vmem>>) semaphore(%arg9 : memref<!tpu.dma_semaphore, #tpu.memory_space<semaphore_mem>>)
    %dma_start3A_407 = arith.constant 0 : i32
    %dma_start3A_408 = arith.constant 1 : i32
    %dma_start3A_409 = arith.constant 0 : i32
    %dma_start3A_410 = arith.constant 0 : i32
    %dma_start3A_411 = tpu.memref_slice %arg7[%dma_start3A_407, %dma_start3A_408, %dma_start3A_409, %dma_start3A_410] : memref<2x3x128x128xf32, #tpu.memory_space<vmem>> -> memref<1x1x128x128xf32, #tpu.memory_space<vmem>>
    %dma_start3A_412 = tpu.memref_squeeze %dma_start3A_411 : memref<1x1x128x128xf32, #tpu.memory_space<vmem>> -> memref<128x128xf32, #tpu.memory_space<vmem>>
    %dma_start3A_413 = arith.constant 768 : i32
    %dma_start3A_414 = tpu.memref_slice %arg6[%dma_start3A_413] : memref<1536xi32, #tpu.memory_space<vmem>> -> memref<128xi32, #tpu.memory_space<vmem>>
    %dma_start3A_415 = arith.constant 0 : i32
    %dma_start3A_416 = arith.constant 0 : i32
    %dma_start3A_417 = tpu.memref_slice %arg3[%dma_start3A_415, %dma_start3A_416] : memref<100000x128xf32, #tpu.memory_space<hbm>> -> memref<100000x128xf32, #tpu.memory_space<hbm>>
    tpu.enqueue_indirect_dma source(%dma_start3A_417 : memref<100000x128xf32, #tpu.memory_space<hbm>>) target(%dma_start3A_412 : memref<128x128xf32, #tpu.memory_space<vmem>>) offsets(%dma_start3A_414 : memref<128xi32, #tpu.memory_space<vmem>>) semaphore(%arg9 : memref<!tpu.dma_semaphore, #tpu.memory_space<semaphore_mem>>)
    %dma_start3A_418 = arith.constant 0 : i32
    %dma_start3A_419 = arith.constant 2 : i32
    %dma_start3A_420 = arith.constant 0 : i32
    %dma_start3A_421 = arith.constant 0 : i32
    %dma_start3A_422 = tpu.memref_slice %arg7[%dma_start3A_418, %dma_start3A_419, %dma_start3A_420, %dma_start3A_421] : memref<2x3x128x128xf32, #tpu.memory_space<vmem>> -> memref<1x1x128x128xf32, #tpu.memory_space<vmem>>
    %dma_start3A_423 = tpu.memref_squeeze %dma_start3A_422 : memref<1x1x128x128xf32, #tpu.memory_space<vmem>> -> memref<128x128xf32, #tpu.memory_space<vmem>>
    %dma_start3A_424 = arith.constant 1280 : i32
    %dma_start3A_425 = tpu.memref_slice %arg6[%dma_start3A_424] : memref<1536xi32, #tpu.memory_space<vmem>> -> memref<128xi32, #tpu.memory_space<vmem>>
    %dma_start3A_426 = arith.constant 0 : i32
    %dma_start3A_427 = arith.constant 0 : i32
    %dma_start3A_428 = tpu.memref_slice %arg2[%dma_start3A_426, %dma_start3A_427] : memref<100000x128xf32, #tpu.memory_space<hbm>> -> memref<100000x128xf32, #tpu.memory_space<hbm>>
    tpu.enqueue_indirect_dma source(%dma_start3A_428 : memref<100000x128xf32, #tpu.memory_space<hbm>>) target(%dma_start3A_423 : memref<128x128xf32, #tpu.memory_space<vmem>>) offsets(%dma_start3A_425 : memref<128xi32, #tpu.memory_space<vmem>>) semaphore(%arg9 : memref<!tpu.dma_semaphore, #tpu.memory_space<semaphore_mem>>)
    %dma_wait3A_429 = arith.constant 1 : i32
    %dma_wait3A_430 = arith.constant 0 : i32
    %dma_wait3A_431 = arith.constant 0 : i32
    %dma_wait3A_432 = arith.constant 0 : i32
    %dma_wait3A_433 = tpu.memref_slice %arg7[%dma_wait3A_429, %dma_wait3A_430, %dma_wait3A_431, %dma_wait3A_432] : memref<2x3x128x128xf32, #tpu.memory_space<vmem>> -> memref<1x1x128x128xf32, #tpu.memory_space<vmem>>
    %dma_wait3A_434 = tpu.memref_squeeze %dma_wait3A_433 : memref<1x1x128x128xf32, #tpu.memory_space<vmem>> -> memref<128x128xf32, #tpu.memory_space<vmem>>
    %dma_wait3A_435 = arith.constant 128 : i32
    %dma_wait3A_436 = tpu.memref_slice %arg6[%dma_wait3A_435] : memref<1536xi32, #tpu.memory_space<vmem>> -> memref<128xi32, #tpu.memory_space<vmem>>
    %dma_wait3A_437 = arith.constant 0 : i32
    %dma_wait3A_438 = arith.constant 0 : i32
    %dma_wait3A_439 = tpu.memref_slice %arg2[%dma_wait3A_437, %dma_wait3A_438] : memref<100000x128xf32, #tpu.memory_space<hbm>> -> memref<100000x128xf32, #tpu.memory_space<hbm>>
    tpu.wait_indirect_dma semaphore(%arg10 : memref<!tpu.dma_semaphore, #tpu.memory_space<semaphore_mem>>) src(%dma_wait3A_439 : memref<100000x128xf32, #tpu.memory_space<hbm>>) dst(%dma_wait3A_434 : memref<128x128xf32, #tpu.memory_space<vmem>>)
    %dma_wait3A_440 = arith.constant 1 : i32
    %dma_wait3A_441 = arith.constant 1 : i32
    %dma_wait3A_442 = arith.constant 0 : i32
    %dma_wait3A_443 = arith.constant 0 : i32
    %dma_wait3A_444 = tpu.memref_slice %arg7[%dma_wait3A_440, %dma_wait3A_441, %dma_wait3A_442, %dma_wait3A_443] : memref<2x3x128x128xf32, #tpu.memory_space<vmem>> -> memref<1x1x128x128xf32, #tpu.memory_space<vmem>>
    %dma_wait3A_445 = tpu.memref_squeeze %dma_wait3A_444 : memref<1x1x128x128xf32, #tpu.memory_space<vmem>> -> memref<128x128xf32, #tpu.memory_space<vmem>>
    %dma_wait3A_446 = arith.constant 640 : i32
    %dma_wait3A_447 = tpu.memref_slice %arg6[%dma_wait3A_446] : memref<1536xi32, #tpu.memory_space<vmem>> -> memref<128xi32, #tpu.memory_space<vmem>>
    %dma_wait3A_448 = arith.constant 0 : i32
    %dma_wait3A_449 = arith.constant 0 : i32
    %dma_wait3A_450 = tpu.memref_slice %arg3[%dma_wait3A_448, %dma_wait3A_449] : memref<100000x128xf32, #tpu.memory_space<hbm>> -> memref<100000x128xf32, #tpu.memory_space<hbm>>
    tpu.wait_indirect_dma semaphore(%arg10 : memref<!tpu.dma_semaphore, #tpu.memory_space<semaphore_mem>>) src(%dma_wait3A_450 : memref<100000x128xf32, #tpu.memory_space<hbm>>) dst(%dma_wait3A_445 : memref<128x128xf32, #tpu.memory_space<vmem>>)
    %dma_wait3A_451 = arith.constant 1 : i32
    %dma_wait3A_452 = arith.constant 2 : i32
    %dma_wait3A_453 = arith.constant 0 : i32
    %dma_wait3A_454 = arith.constant 0 : i32
    %dma_wait3A_455 = tpu.memref_slice %arg7[%dma_wait3A_451, %dma_wait3A_452, %dma_wait3A_453, %dma_wait3A_454] : memref<2x3x128x128xf32, #tpu.memory_space<vmem>> -> memref<1x1x128x128xf32, #tpu.memory_space<vmem>>
    %dma_wait3A_456 = tpu.memref_squeeze %dma_wait3A_455 : memref<1x1x128x128xf32, #tpu.memory_space<vmem>> -> memref<128x128xf32, #tpu.memory_space<vmem>>
    %dma_wait3A_457 = arith.constant 1152 : i32
    %dma_wait3A_458 = tpu.memref_slice %arg6[%dma_wait3A_457] : memref<1536xi32, #tpu.memory_space<vmem>> -> memref<128xi32, #tpu.memory_space<vmem>>
    %dma_wait3A_459 = arith.constant 0 : i32
    %dma_wait3A_460 = arith.constant 0 : i32
    %dma_wait3A_461 = tpu.memref_slice %arg2[%dma_wait3A_459, %dma_wait3A_460] : memref<100000x128xf32, #tpu.memory_space<hbm>> -> memref<100000x128xf32, #tpu.memory_space<hbm>>
    tpu.wait_indirect_dma semaphore(%arg10 : memref<!tpu.dma_semaphore, #tpu.memory_space<semaphore_mem>>) src(%dma_wait3A_461 : memref<100000x128xf32, #tpu.memory_space<hbm>>) dst(%dma_wait3A_456 : memref<128x128xf32, #tpu.memory_space<vmem>>)
    %scan3A_462 = arith.constant 0 : i32
    %get3A_463 = arith.constant 1 : i32
    %get3A_464 = arith.constant 0 : i32
    %get3A_465 = arith.index_cast %get3A_463 : i32 to index
    %get3A_466 = arith.index_cast %get3A_464 : i32 to index
    %get3A_467 = arith.index_cast %scan3A_462 : i32 to index
    %get3A_468 = arith.constant 0 : index
    %get3A_469 = tpu.vector_load %arg7[%get3A_465, %get3A_466, %get3A_467, %get3A_468] {strides = array<i32>} : memref<2x3x128x128xf32, #tpu.memory_space<vmem>>, vector<1x1x1x16xf32>,
    %get3A_470 = vector.shape_cast %get3A_469 : vector<1x1x1x16xf32> to vector<16xf32>
    %get3A_471 = arith.constant 1 : i32
    %get3A_472 = arith.constant 1 : i32
    %get3A_473 = arith.index_cast %get3A_471 : i32 to index
    %get3A_474 = arith.index_cast %get3A_472 : i32 to index
    %get3A_475 = arith.index_cast %scan3A_462 : i32 to index
    %get3A_476 = arith.constant 0 : index
    %get3A_477 = tpu.vector_load %arg7[%get3A_473, %get3A_474, %get3A_475, %get3A_476] {strides = array<i32>} : memref<2x3x128x128xf32, #tpu.memory_space<vmem>>, vector<1x1x1x16xf32>,
    %get3A_478 = vector.shape_cast %get3A_477 : vector<1x1x1x16xf32> to vector<16xf32>
    %get3A_479 = arith.constant 1 : i32
    %get3A_480 = arith.constant 2 : i32
    %get3A_481 = arith.index_cast %get3A_479 : i32 to index
    %get3A_482 = arith.index_cast %get3A_480 : i32 to index
    %get3A_483 = arith.index_cast %scan3A_462 : i32 to index
    %get3A_484 = arith.constant 0 : index
    %get3A_485 = tpu.vector_load %arg7[%get3A_481, %get3A_482, %get3A_483, %get3A_484] {strides = array<i32>} : memref<2x3x128x128xf32, #tpu.memory_space<vmem>>, vector<1x1x1x16xf32>,
    %get3A_486 = vector.shape_cast %get3A_485 : vector<1x1x1x16xf32> to vector<16xf32>
    %add3A_487 = arith.addf %get3A_470, %get3A_478 : vector<16xf32>
    %sub3A_488 = arith.subf %add3A_487, %get3A_486 : vector<16xf32>
    %mul3A_489 = arith.mulf %sub3A_488, %sub3A_488 : vector<16xf32>
    %add3A_490 = arith.addf %add3A_198, %mul3A_489 : vector<16xf32>
    %get3A_491 = arith.constant 1 : i32
    %get3A_492 = arith.constant 0 : i32
    %get3A_493 = arith.index_cast %get3A_491 : i32 to index
    %get3A_494 = arith.index_cast %get3A_492 : i32 to index
    %get3A_495 = arith.index_cast %scan3A_462 : i32 to index
    %get3A_496 = arith.constant 16 : index
    %get3A_497 = tpu.vector_load %arg7[%get3A_493, %get3A_494, %get3A_495, %get3A_496] {strides = array<i32>} : memref<2x3x128x128xf32, #tpu.memory_space<vmem>>, vector<1x1x1x16xf32>,
    %get3A_498 = vector.shape_cast %get3A_497 : vector<1x1x1x16xf32> to vector<16xf32>
    %get3A_499 = arith.constant 1 : i32
    %get3A_500 = arith.constant 1 : i32
    %get3A_501 = arith.index_cast %get3A_499 : i32 to index
    %get3A_502 = arith.index_cast %get3A_500 : i32 to index
    %get3A_503 = arith.index_cast %scan3A_462 : i32 to index
    %get3A_504 = arith.constant 16 : index
    %get3A_505 = tpu.vector_load %arg7[%get3A_501, %get3A_502, %get3A_503, %get3A_504] {strides = array<i32>} : memref<2x3x128x128xf32, #tpu.memory_space<vmem>>, vector<1x1x1x16xf32>,
    %get3A_506 = vector.shape_cast %get3A_505 : vector<1x1x1x16xf32> to vector<16xf32>
    %get3A_507 = arith.constant 1 : i32
    %get3A_508 = arith.constant 2 : i32
    %get3A_509 = arith.index_cast %get3A_507 : i32 to index
    %get3A_510 = arith.index_cast %get3A_508 : i32 to index
    %get3A_511 = arith.index_cast %scan3A_462 : i32 to index
    %get3A_512 = arith.constant 16 : index
    %get3A_513 = tpu.vector_load %arg7[%get3A_509, %get3A_510, %get3A_511, %get3A_512] {strides = array<i32>} : memref<2x3x128x128xf32, #tpu.memory_space<vmem>>, vector<1x1x1x16xf32>,
    %get3A_514 = vector.shape_cast %get3A_513 : vector<1x1x1x16xf32> to vector<16xf32>
    %add3A_515 = arith.addf %get3A_498, %get3A_506 : vector<16xf32>
    %sub3A_516 = arith.subf %add3A_515, %get3A_514 : vector<16xf32>
    %mul3A_517 = arith.mulf %sub3A_516, %sub3A_516 : vector<16xf32>
    %add3A_518 = arith.addf %add3A_226, %mul3A_517 : vector<16xf32>
    %get3A_519 = arith.constant 1 : i32
    %get3A_520 = arith.constant 0 : i32
    %get3A_521 = arith.index_cast %get3A_519 : i32 to index
    %get3A_522 = arith.index_cast %get3A_520 : i32 to index
    %get3A_523 = arith.index_cast %scan3A_462 : i32 to index
    %get3A_524 = arith.constant 32 : index
    %get3A_525 = tpu.vector_load %arg7[%get3A_521, %get3A_522, %get3A_523, %get3A_524] {strides = array<i32>} : memref<2x3x128x128xf32, #tpu.memory_space<vmem>>, vector<1x1x1x16xf32>,
    %get3A_526 = vector.shape_cast %get3A_525 : vector<1x1x1x16xf32> to vector<16xf32>
    %get3A_527 = arith.constant 1 : i32
    %get3A_528 = arith.constant 1 : i32
    %get3A_529 = arith.index_cast %get3A_527 : i32 to index
    %get3A_530 = arith.index_cast %get3A_528 : i32 to index
    %get3A_531 = arith.index_cast %scan3A_462 : i32 to index
    %get3A_532 = arith.constant 32 : index
    %get3A_533 = tpu.vector_load %arg7[%get3A_529, %get3A_530, %get3A_531, %get3A_532] {strides = array<i32>} : memref<2x3x128x128xf32, #tpu.memory_space<vmem>>, vector<1x1x1x16xf32>,
    %get3A_534 = vector.shape_cast %get3A_533 : vector<1x1x1x16xf32> to vector<16xf32>
    %get3A_535 = arith.constant 1 : i32
    %get3A_536 = arith.constant 2 : i32
    %get3A_537 = arith.index_cast %get3A_535 : i32 to index
    %get3A_538 = arith.index_cast %get3A_536 : i32 to index
    %get3A_539 = arith.index_cast %scan3A_462 : i32 to index
    %get3A_540 = arith.constant 32 : index
    %get3A_541 = tpu.vector_load %arg7[%get3A_537, %get3A_538, %get3A_539, %get3A_540] {strides = array<i32>} : memref<2x3x128x128xf32, #tpu.memory_space<vmem>>, vector<1x1x1x16xf32>,
    %get3A_542 = vector.shape_cast %get3A_541 : vector<1x1x1x16xf32> to vector<16xf32>
    %add3A_543 = arith.addf %get3A_526, %get3A_534 : vector<16xf32>
    %sub3A_544 = arith.subf %add3A_543, %get3A_542 : vector<16xf32>
    %mul3A_545 = arith.mulf %sub3A_544, %sub3A_544 : vector<16xf32>
    %add3A_546 = arith.addf %add3A_254, %mul3A_545 : vector<16xf32>
    %get3A_547 = arith.constant 1 : i32
    %get3A_548 = arith.constant 0 : i32
    %get3A_549 = arith.index_cast %get3A_547 : i32 to index
    %get3A_550 = arith.index_cast %get3A_548 : i32 to index
    %get3A_551 = arith.index_cast %scan3A_462 : i32 to index
    %get3A_552 = arith.constant 48 : index
    %get3A_553 = tpu.vector_load %arg7[%get3A_549, %get3A_550, %get3A_551, %get3A_552] {strides = array<i32>} : memref<2x3x128x128xf32, #tpu.memory_space<vmem>>, vector<1x1x1x16xf32>,
    %get3A_554 = vector.shape_cast %get3A_553 : vector<1x1x1x16xf32> to vector<16xf32>
    %get3A_555 = arith.constant 1 : i32
    %get3A_556 = arith.constant 1 : i32
    %get3A_557 = arith.index_cast %get3A_555 : i32 to index
    %get3A_558 = arith.index_cast %get3A_556 : i32 to index
    %get3A_559 = arith.index_cast %scan3A_462 : i32 to index
    %get3A_560 = arith.constant 48 : index
    %get3A_561 = tpu.vector_load %arg7[%get3A_557, %get3A_558, %get3A_559, %get3A_560] {strides = array<i32>} : memref<2x3x128x128xf32, #tpu.memory_space<vmem>>, vector<1x1x1x16xf32>,
    %get3A_562 = vector.shape_cast %get3A_561 : vector<1x1x1x16xf32> to vector<16xf32>
    %get3A_563 = arith.constant 1 : i32
    %get3A_564 = arith.constant 2 : i32
    %get3A_565 = arith.index_cast %get3A_563 : i32 to index
    %get3A_566 = arith.index_cast %get3A_564 : i32 to index
    %get3A_567 = arith.index_cast %scan3A_462 : i32 to index
    %get3A_568 = arith.constant 48 : index
    %get3A_569 = tpu.vector_load %arg7[%get3A_565, %get3A_566, %get3A_567, %get3A_568] {strides = array<i32>} : memref<2x3x128x128xf32, #tpu.memory_space<vmem>>, vector<1x1x1x16xf32>,
    %get3A_570 = vector.shape_cast %get3A_569 : vector<1x1x1x16xf32> to vector<16xf32>
    %add3A_571 = arith.addf %get3A_554, %get3A_562 : vector<16xf32>
    %sub3A_572 = arith.subf %add3A_571, %get3A_570 : vector<16xf32>
    %mul3A_573 = arith.mulf %sub3A_572, %sub3A_572 : vector<16xf32>
    %add3A_574 = arith.addf %add3A_282, %mul3A_573 : vector<16xf32>
    %get3A_575 = arith.constant 1 : i32
    %get3A_576 = arith.constant 0 : i32
    %get3A_577 = arith.index_cast %get3A_575 : i32 to index
    %get3A_578 = arith.index_cast %get3A_576 : i32 to index
    %get3A_579 = arith.index_cast %scan3A_462 : i32 to index
    %get3A_580 = arith.constant 64 : index
    %get3A_581 = tpu.vector_load %arg7[%get3A_577, %get3A_578, %get3A_579, %get3A_580] {strides = array<i32>} : memref<2x3x128x128xf32, #tpu.memory_space<vmem>>, vector<1x1x1x16xf32>,
    %get3A_582 = vector.shape_cast %get3A_581 : vector<1x1x1x16xf32> to vector<16xf32>
    %get3A_583 = arith.constant 1 : i32
    %get3A_584 = arith.constant 1 : i32
    %get3A_585 = arith.index_cast %get3A_583 : i32 to index
    %get3A_586 = arith.index_cast %get3A_584 : i32 to index
    %get3A_587 = arith.index_cast %scan3A_462 : i32 to index
    %get3A_588 = arith.constant 64 : index
    %get3A_589 = tpu.vector_load %arg7[%get3A_585, %get3A_586, %get3A_587, %get3A_588] {strides = array<i32>} : memref<2x3x128x128xf32, #tpu.memory_space<vmem>>, vector<1x1x1x16xf32>,
    %get3A_590 = vector.shape_cast %get3A_589 : vector<1x1x1x16xf32> to vector<16xf32>
    %get3A_591 = arith.constant 1 : i32
    %get3A_592 = arith.constant 2 : i32
    %get3A_593 = arith.index_cast %get3A_591 : i32 to index
    %get3A_594 = arith.index_cast %get3A_592 : i32 to index
    %get3A_595 = arith.index_cast %scan3A_462 : i32 to index
    %get3A_596 = arith.constant 64 : index
    %get3A_597 = tpu.vector_load %arg7[%get3A_593, %get3A_594, %get3A_595, %get3A_596] {strides = array<i32>} : memref<2x3x128x128xf32, #tpu.memory_space<vmem>>, vector<1x1x1x16xf32>,
    %get3A_598 = vector.shape_cast %get3A_597 : vector<1x1x1x16xf32> to vector<16xf32>
    %add3A_599 = arith.addf %get3A_582, %get3A_590 : vector<16xf32>
    %sub3A_600 = arith.subf %add3A_599, %get3A_598 : vector<16xf32>
    %mul3A_601 = arith.mulf %sub3A_600, %sub3A_600 : vector<16xf32>
    %add3A_602 = arith.addf %add3A_310, %mul3A_601 : vector<16xf32>
    %get3A_603 = arith.constant 1 : i32
    %get3A_604 = arith.constant 0 : i32
    %get3A_605 = arith.index_cast %get3A_603 : i32 to index
    %get3A_606 = arith.index_cast %get3A_604 : i32 to index
    %get3A_607 = arith.index_cast %scan3A_462 : i32 to index
    %get3A_608 = arith.constant 80 : index
    %get3A_609 = tpu.vector_load %arg7[%get3A_605, %get3A_606, %get3A_607, %get3A_608] {strides = array<i32>} : memref<2x3x128x128xf32, #tpu.memory_space<vmem>>, vector<1x1x1x16xf32>,
    %get3A_610 = vector.shape_cast %get3A_609 : vector<1x1x1x16xf32> to vector<16xf32>
    %get3A_611 = arith.constant 1 : i32
    %get3A_612 = arith.constant 1 : i32
    %get3A_613 = arith.index_cast %get3A_611 : i32 to index
    %get3A_614 = arith.index_cast %get3A_612 : i32 to index
    %get3A_615 = arith.index_cast %scan3A_462 : i32 to index
    %get3A_616 = arith.constant 80 : index
    %get3A_617 = tpu.vector_load %arg7[%get3A_613, %get3A_614, %get3A_615, %get3A_616] {strides = array<i32>} : memref<2x3x128x128xf32, #tpu.memory_space<vmem>>, vector<1x1x1x16xf32>,
    %get3A_618 = vector.shape_cast %get3A_617 : vector<1x1x1x16xf32> to vector<16xf32>
    %get3A_619 = arith.constant 1 : i32
    %get3A_620 = arith.constant 2 : i32
    %get3A_621 = arith.index_cast %get3A_619 : i32 to index
    %get3A_622 = arith.index_cast %get3A_620 : i32 to index
    %get3A_623 = arith.index_cast %scan3A_462 : i32 to index
    %get3A_624 = arith.constant 80 : index
    %get3A_625 = tpu.vector_load %arg7[%get3A_621, %get3A_622, %get3A_623, %get3A_624] {strides = array<i32>} : memref<2x3x128x128xf32, #tpu.memory_space<vmem>>, vector<1x1x1x16xf32>,
    %get3A_626 = vector.shape_cast %get3A_625 : vector<1x1x1x16xf32> to vector<16xf32>
    %add3A_627 = arith.addf %get3A_610, %get3A_618 : vector<16xf32>
    %sub3A_628 = arith.subf %add3A_627, %get3A_626 : vector<16xf32>
    %mul3A_629 = arith.mulf %sub3A_628, %sub3A_628 : vector<16xf32>
    %add3A_630 = arith.addf %add3A_338, %mul3A_629 : vector<16xf32>
    %get3A_631 = arith.constant 1 : i32
    %get3A_632 = arith.constant 0 : i32
    %get3A_633 = arith.index_cast %get3A_631 : i32 to index
    %get3A_634 = arith.index_cast %get3A_632 : i32 to index
    %get3A_635 = arith.index_cast %scan3A_462 : i32 to index
    %get3A_636 = arith.constant 96 : index
    %get3A_637 = tpu.vector_load %arg7[%get3A_633, %get3A_634, %get3A_635, %get3A_636] {strides = array<i32>} : memref<2x3x128x128xf32, #tpu.memory_space<vmem>>, vector<1x1x1x16xf32>,
    %get3A_638 = vector.shape_cast %get3A_637 : vector<1x1x1x16xf32> to vector<16xf32>
    %get3A_639 = arith.constant 1 : i32
    %get3A_640 = arith.constant 1 : i32
    %get3A_641 = arith.index_cast %get3A_639 : i32 to index
    %get3A_642 = arith.index_cast %get3A_640 : i32 to index
    %get3A_643 = arith.index_cast %scan3A_462 : i32 to index
    %get3A_644 = arith.constant 96 : index
    %get3A_645 = tpu.vector_load %arg7[%get3A_641, %get3A_642, %get3A_643, %get3A_644] {strides = array<i32>} : memref<2x3x128x128xf32, #tpu.memory_space<vmem>>, vector<1x1x1x16xf32>,
    %get3A_646 = vector.shape_cast %get3A_645 : vector<1x1x1x16xf32> to vector<16xf32>
    %get3A_647 = arith.constant 1 : i32
    %get3A_648 = arith.constant 2 : i32
    %get3A_649 = arith.index_cast %get3A_647 : i32 to index
    %get3A_650 = arith.index_cast %get3A_648 : i32 to index
    %get3A_651 = arith.index_cast %scan3A_462 : i32 to index
    %get3A_652 = arith.constant 96 : index
    %get3A_653 = tpu.vector_load %arg7[%get3A_649, %get3A_650, %get3A_651, %get3A_652] {strides = array<i32>} : memref<2x3x128x128xf32, #tpu.memory_space<vmem>>, vector<1x1x1x16xf32>,
    %get3A_654 = vector.shape_cast %get3A_653 : vector<1x1x1x16xf32> to vector<16xf32>
    %add3A_655 = arith.addf %get3A_638, %get3A_646 : vector<16xf32>
    %sub3A_656 = arith.subf %add3A_655, %get3A_654 : vector<16xf32>
    %mul3A_657 = arith.mulf %sub3A_656, %sub3A_656 : vector<16xf32>
    %add3A_658 = arith.addf %add3A_366, %mul3A_657 : vector<16xf32>
    %get3A_659 = arith.constant 1 : i32
    %get3A_660 = arith.constant 0 : i32
    %get3A_661 = arith.index_cast %get3A_659 : i32 to index
    %get3A_662 = arith.index_cast %get3A_660 : i32 to index
    %get3A_663 = arith.index_cast %scan3A_462 : i32 to index
    %get3A_664 = arith.constant 112 : index
    %get3A_665 = tpu.vector_load %arg7[%get3A_661, %get3A_662, %get3A_663, %get3A_664] {strides = array<i32>} : memref<2x3x128x128xf32, #tpu.memory_space<vmem>>, vector<1x1x1x16xf32>,
    %get3A_666 = vector.shape_cast %get3A_665 : vector<1x1x1x16xf32> to vector<16xf32>
    %get3A_667 = arith.constant 1 : i32
    %get3A_668 = arith.constant 1 : i32
    %get3A_669 = arith.index_cast %get3A_667 : i32 to index
    %get3A_670 = arith.index_cast %get3A_668 : i32 to index
    %get3A_671 = arith.index_cast %scan3A_462 : i32 to index
    %get3A_672 = arith.constant 112 : index
    %get3A_673 = tpu.vector_load %arg7[%get3A_669, %get3A_670, %get3A_671, %get3A_672] {strides = array<i32>} : memref<2x3x128x128xf32, #tpu.memory_space<vmem>>, vector<1x1x1x16xf32>,
    %get3A_674 = vector.shape_cast %get3A_673 : vector<1x1x1x16xf32> to vector<16xf32>
    %get3A_675 = arith.constant 1 : i32
    %get3A_676 = arith.constant 2 : i32
    %get3A_677 = arith.index_cast %get3A_675 : i32 to index
    %get3A_678 = arith.index_cast %get3A_676 : i32 to index
    %get3A_679 = arith.index_cast %scan3A_462 : i32 to index
    %get3A_680 = arith.constant 112 : index
    %get3A_681 = tpu.vector_load %arg7[%get3A_677, %get3A_678, %get3A_679, %get3A_680] {strides = array<i32>} : memref<2x3x128x128xf32, #tpu.memory_space<vmem>>, vector<1x1x1x16xf32>,
    %get3A_682 = vector.shape_cast %get3A_681 : vector<1x1x1x16xf32> to vector<16xf32>
    %add3A_683 = arith.addf %get3A_666, %get3A_674 : vector<16xf32>
    %sub3A_684 = arith.subf %add3A_683, %get3A_682 : vector<16xf32>
    %mul3A_685 = arith.mulf %sub3A_684, %sub3A_684 : vector<16xf32>
    %add3A_686 = arith.addf %add3A_394, %mul3A_685 : vector<16xf32>
    %scan3A_687 = arith.constant 1 : i32
    %dma_start3A_688 = arith.constant 1 : i32
    %dma_start3A_689 = arith.constant 0 : i32
    %dma_start3A_690 = arith.constant 0 : i32
    %dma_start3A_691 = arith.constant 0 : i32
    %dma_start3A_692 = tpu.memref_slice %arg7[%dma_start3A_688, %dma_start3A_689, %dma_start3A_690, %dma_start3A_691] : memref<2x3x128x128xf32, #tpu.memory_space<vmem>> -> memref<1x1x128x128xf32, #tpu.memory_space<vmem>>
    %dma_start3A_693 = tpu.memref_squeeze %dma_start3A_692 : memref<1x1x128x128xf32, #tpu.memory_space<vmem>> -> memref<128x128xf32, #tpu.memory_space<vmem>>
    %dma_start3A_694 = arith.constant 384 : i32
    %dma_start3A_695 = tpu.memref_slice %arg6[%dma_start3A_694] : memref<1536xi32, #tpu.memory_space<vmem>> -> memref<128xi32, #tpu.memory_space<vmem>>
    %dma_start3A_696 = arith.constant 0 : i32
    %dma_start3A_697 = arith.constant 0 : i32
    %dma_start3A_698 = tpu.memref_slice %arg2[%dma_start3A_696, %dma_start3A_697] : memref<100000x128xf32, #tpu.memory_space<hbm>> -> memref<100000x128xf32, #tpu.memory_space<hbm>>
    tpu.enqueue_indirect_dma source(%dma_start3A_698 : memref<100000x128xf32, #tpu.memory_space<hbm>>) target(%dma_start3A_693 : memref<128x128xf32, #tpu.memory_space<vmem>>) offsets(%dma_start3A_695 : memref<128xi32, #tpu.memory_space<vmem>>) semaphore(%arg10 : memref<!tpu.dma_semaphore, #tpu.memory_space<semaphore_mem>>)
    %dma_start3A_699 = arith.constant 1 : i32
    %dma_start3A_700 = arith.constant 1 : i32
    %dma_start3A_701 = arith.constant 0 : i32
    %dma_start3A_702 = arith.constant 0 : i32
    %dma_start3A_703 = tpu.memref_slice %arg7[%dma_start3A_699, %dma_start3A_700, %dma_start3A_701, %dma_start3A_702] : memref<2x3x128x128xf32, #tpu.memory_space<vmem>> -> memref<1x1x128x128xf32, #tpu.memory_space<vmem>>
    %dma_start3A_704 = tpu.memref_squeeze %dma_start3A_703 : memref<1x1x128x128xf32, #tpu.memory_space<vmem>> -> memref<128x128xf32, #tpu.memory_space<vmem>>
    %dma_start3A_705 = arith.constant 896 : i32
    %dma_start3A_706 = tpu.memref_slice %arg6[%dma_start3A_705] : memref<1536xi32, #tpu.memory_space<vmem>> -> memref<128xi32, #tpu.memory_space<vmem>>
    %dma_start3A_707 = arith.constant 0 : i32
    %dma_start3A_708 = arith.constant 0 : i32
    %dma_start3A_709 = tpu.memref_slice %arg3[%dma_start3A_707, %dma_start3A_708] : memref<100000x128xf32, #tpu.memory_space<hbm>> -> memref<100000x128xf32, #tpu.memory_space<hbm>>
    tpu.enqueue_indirect_dma source(%dma_start3A_709 : memref<100000x128xf32, #tpu.memory_space<hbm>>) target(%dma_start3A_704 : memref<128x128xf32, #tpu.memory_space<vmem>>) offsets(%dma_start3A_706 : memref<128xi32, #tpu.memory_space<vmem>>) semaphore(%arg10 : memref<!tpu.dma_semaphore, #tpu.memory_space<semaphore_mem>>)
    %dma_start3A_710 = arith.constant 1 : i32
    %dma_start3A_711 = arith.constant 2 : i32
    %dma_start3A_712 = arith.constant 0 : i32
    %dma_start3A_713 = arith.constant 0 : i32
    %dma_start3A_714 = tpu.memref_slice %arg7[%dma_start3A_710, %dma_start3A_711, %dma_start3A_712, %dma_start3A_713] : memref<2x3x128x128xf32, #tpu.memory_space<vmem>> -> memref<1x1x128x128xf32, #tpu.memory_space<vmem>>
    %dma_start3A_715 = tpu.memref_squeeze %dma_start3A_714 : memref<1x1x128x128xf32, #tpu.memory_space<vmem>> -> memref<128x128xf32, #tpu.memory_space<vmem>>
    %dma_start3A_716 = arith.constant 1408 : i32
    %dma_start3A_717 = tpu.memref_slice %arg6[%dma_start3A_716] : memref<1536xi32, #tpu.memory_space<vmem>> -> memref<128xi32, #tpu.memory_space<vmem>>
    %dma_start3A_718 = arith.constant 0 : i32
    %dma_start3A_719 = arith.constant 0 : i32
    %dma_start3A_720 = tpu.memref_slice %arg2[%dma_start3A_718, %dma_start3A_719] : memref<100000x128xf32, #tpu.memory_space<hbm>> -> memref<100000x128xf32, #tpu.memory_space<hbm>>
    tpu.enqueue_indirect_dma source(%dma_start3A_720 : memref<100000x128xf32, #tpu.memory_space<hbm>>) target(%dma_start3A_715 : memref<128x128xf32, #tpu.memory_space<vmem>>) offsets(%dma_start3A_717 : memref<128xi32, #tpu.memory_space<vmem>>) semaphore(%arg10 : memref<!tpu.dma_semaphore, #tpu.memory_space<semaphore_mem>>)
    %dma_wait3A_721 = arith.constant 0 : i32
    %dma_wait3A_722 = arith.constant 0 : i32
    %dma_wait3A_723 = arith.constant 0 : i32
    %dma_wait3A_724 = arith.constant 0 : i32
    %dma_wait3A_725 = tpu.memref_slice %arg7[%dma_wait3A_721, %dma_wait3A_722, %dma_wait3A_723, %dma_wait3A_724] : memref<2x3x128x128xf32, #tpu.memory_space<vmem>> -> memref<1x1x128x128xf32, #tpu.memory_space<vmem>>
    %dma_wait3A_726 = tpu.memref_squeeze %dma_wait3A_725 : memref<1x1x128x128xf32, #tpu.memory_space<vmem>> -> memref<128x128xf32, #tpu.memory_space<vmem>>
    %dma_wait3A_727 = arith.constant 256 : i32
    %dma_wait3A_728 = tpu.memref_slice %arg6[%dma_wait3A_727] : memref<1536xi32, #tpu.memory_space<vmem>> -> memref<128xi32, #tpu.memory_space<vmem>>
    %dma_wait3A_729 = arith.constant 0 : i32
    %dma_wait3A_730 = arith.constant 0 : i32
    %dma_wait3A_731 = tpu.memref_slice %arg2[%dma_wait3A_729, %dma_wait3A_730] : memref<100000x128xf32, #tpu.memory_space<hbm>> -> memref<100000x128xf32, #tpu.memory_space<hbm>>
    tpu.wait_indirect_dma semaphore(%arg9 : memref<!tpu.dma_semaphore, #tpu.memory_space<semaphore_mem>>) src(%dma_wait3A_731 : memref<100000x128xf32, #tpu.memory_space<hbm>>) dst(%dma_wait3A_726 : memref<128x128xf32, #tpu.memory_space<vmem>>)
    %dma_wait3A_732 = arith.constant 0 : i32
    %dma_wait3A_733 = arith.constant 1 : i32
    %dma_wait3A_734 = arith.constant 0 : i32
    %dma_wait3A_735 = arith.constant 0 : i32
    %dma_wait3A_736 = tpu.memref_slice %arg7[%dma_wait3A_732, %dma_wait3A_733, %dma_wait3A_734, %dma_wait3A_735] : memref<2x3x128x128xf32, #tpu.memory_space<vmem>> -> memref<1x1x128x128xf32, #tpu.memory_space<vmem>>
    %dma_wait3A_737 = tpu.memref_squeeze %dma_wait3A_736 : memref<1x1x128x128xf32, #tpu.memory_space<vmem>> -> memref<128x128xf32, #tpu.memory_space<vmem>>
    %dma_wait3A_738 = arith.constant 768 : i32
    %dma_wait3A_739 = tpu.memref_slice %arg6[%dma_wait3A_738] : memref<1536xi32, #tpu.memory_space<vmem>> -> memref<128xi32, #tpu.memory_space<vmem>>
    %dma_wait3A_740 = arith.constant 0 : i32
    %dma_wait3A_741 = arith.constant 0 : i32
    %dma_wait3A_742 = tpu.memref_slice %arg3[%dma_wait3A_740, %dma_wait3A_741] : memref<100000x128xf32, #tpu.memory_space<hbm>> -> memref<100000x128xf32, #tpu.memory_space<hbm>>
    tpu.wait_indirect_dma semaphore(%arg9 : memref<!tpu.dma_semaphore, #tpu.memory_space<semaphore_mem>>) src(%dma_wait3A_742 : memref<100000x128xf32, #tpu.memory_space<hbm>>) dst(%dma_wait3A_737 : memref<128x128xf32, #tpu.memory_space<vmem>>)
    %dma_wait3A_743 = arith.constant 0 : i32
    %dma_wait3A_744 = arith.constant 2 : i32
    %dma_wait3A_745 = arith.constant 0 : i32
    %dma_wait3A_746 = arith.constant 0 : i32
    %dma_wait3A_747 = tpu.memref_slice %arg7[%dma_wait3A_743, %dma_wait3A_744, %dma_wait3A_745, %dma_wait3A_746] : memref<2x3x128x128xf32, #tpu.memory_space<vmem>> -> memref<1x1x128x128xf32, #tpu.memory_space<vmem>>
    %dma_wait3A_748 = tpu.memref_squeeze %dma_wait3A_747 : memref<1x1x128x128xf32, #tpu.memory_space<vmem>> -> memref<128x128xf32, #tpu.memory_space<vmem>>
    %dma_wait3A_749 = arith.constant 1280 : i32
    %dma_wait3A_750 = tpu.memref_slice %arg6[%dma_wait3A_749] : memref<1536xi32, #tpu.memory_space<vmem>> -> memref<128xi32, #tpu.memory_space<vmem>>
    %dma_wait3A_751 = arith.constant 0 : i32
    %dma_wait3A_752 = arith.constant 0 : i32
    %dma_wait3A_753 = tpu.memref_slice %arg2[%dma_wait3A_751, %dma_wait3A_752] : memref<100000x128xf32, #tpu.memory_space<hbm>> -> memref<100000x128xf32, #tpu.memory_space<hbm>>
    tpu.wait_indirect_dma semaphore(%arg9 : memref<!tpu.dma_semaphore, #tpu.memory_space<semaphore_mem>>) src(%dma_wait3A_753 : memref<100000x128xf32, #tpu.memory_space<hbm>>) dst(%dma_wait3A_748 : memref<128x128xf32, #tpu.memory_space<vmem>>)
    %scan3A_754 = arith.constant 0 : i32
    %get3A_755 = arith.constant 0 : i32
    %get3A_756 = arith.constant 0 : i32
    %get3A_757 = arith.index_cast %get3A_755 : i32 to index
    %get3A_758 = arith.index_cast %get3A_756 : i32 to index
    %get3A_759 = arith.index_cast %scan3A_754 : i32 to index
    %get3A_760 = arith.constant 0 : index
    %get3A_761 = tpu.vector_load %arg7[%get3A_757, %get3A_758, %get3A_759, %get3A_760] {strides = array<i32>} : memref<2x3x128x128xf32, #tpu.memory_space<vmem>>, vector<1x1x1x16xf32>,
    %get3A_762 = vector.shape_cast %get3A_761 : vector<1x1x1x16xf32> to vector<16xf32>
    %get3A_763 = arith.constant 0 : i32
    %get3A_764 = arith.constant 1 : i32
    %get3A_765 = arith.index_cast %get3A_763 : i32 to index
    %get3A_766 = arith.index_cast %get3A_764 : i32 to index
    %get3A_767 = arith.index_cast %scan3A_754 : i32 to index
    %get3A_768 = arith.constant 0 : index
    %get3A_769 = tpu.vector_load %arg7[%get3A_765, %get3A_766, %get3A_767, %get3A_768] {strides = array<i32>} : memref<2x3x128x128xf32, #tpu.memory_space<vmem>>, vector<1x1x1x16xf32>,
    %get3A_770 = vector.shape_cast %get3A_769 : vector<1x1x1x16xf32> to vector<16xf32>
    %get3A_771 = arith.constant 0 : i32
    %get3A_772 = arith.constant 2 : i32
    %get3A_773 = arith.index_cast %get3A_771 : i32 to index
    %get3A_774 = arith.index_cast %get3A_772 : i32 to index
    %get3A_775 = arith.index_cast %scan3A_754 : i32 to index
    %get3A_776 = arith.constant 0 : index
    %get3A_777 = tpu.vector_load %arg7[%get3A_773, %get3A_774, %get3A_775, %get3A_776] {strides = array<i32>} : memref<2x3x128x128xf32, #tpu.memory_space<vmem>>, vector<1x1x1x16xf32>,
    %get3A_778 = vector.shape_cast %get3A_777 : vector<1x1x1x16xf32> to vector<16xf32>
    %add3A_779 = arith.addf %get3A_762, %get3A_770 : vector<16xf32>
    %sub3A_780 = arith.subf %add3A_779, %get3A_778 : vector<16xf32>
    %mul3A_781 = arith.mulf %sub3A_780, %sub3A_780 : vector<16xf32>
    %add3A_782 = arith.addf %add3A_490, %mul3A_781 : vector<16xf32>
    %get3A_783 = arith.constant 0 : i32
    %get3A_784 = arith.constant 0 : i32
    %get3A_785 = arith.index_cast %get3A_783 : i32 to index
    %get3A_786 = arith.index_cast %get3A_784 : i32 to index
    %get3A_787 = arith.index_cast %scan3A_754 : i32 to index
    %get3A_788 = arith.constant 16 : index
    %get3A_789 = tpu.vector_load %arg7[%get3A_785, %get3A_786, %get3A_787, %get3A_788] {strides = array<i32>} : memref<2x3x128x128xf32, #tpu.memory_space<vmem>>, vector<1x1x1x16xf32>,
    %get3A_790 = vector.shape_cast %get3A_789 : vector<1x1x1x16xf32> to vector<16xf32>
    %get3A_791 = arith.constant 0 : i32
    %get3A_792 = arith.constant 1 : i32
    %get3A_793 = arith.index_cast %get3A_791 : i32 to index
    %get3A_794 = arith.index_cast %get3A_792 : i32 to index
    %get3A_795 = arith.index_cast %scan3A_754 : i32 to index
    %get3A_796 = arith.constant 16 : index
    %get3A_797 = tpu.vector_load %arg7[%get3A_793, %get3A_794, %get3A_795, %get3A_796] {strides = array<i32>} : memref<2x3x128x128xf32, #tpu.memory_space<vmem>>, vector<1x1x1x16xf32>,
    %get3A_798 = vector.shape_cast %get3A_797 : vector<1x1x1x16xf32> to vector<16xf32>
    %get3A_799 = arith.constant 0 : i32
    %get3A_800 = arith.constant 2 : i32
    %get3A_801 = arith.index_cast %get3A_799 : i32 to index
    %get3A_802 = arith.index_cast %get3A_800 : i32 to index
    %get3A_803 = arith.index_cast %scan3A_754 : i32 to index
    %get3A_804 = arith.constant 16 : index
    %get3A_805 = tpu.vector_load %arg7[%get3A_801, %get3A_802, %get3A_803, %get3A_804] {strides = array<i32>} : memref<2x3x128x128xf32, #tpu.memory_space<vmem>>, vector<1x1x1x16xf32>,
    %get3A_806 = vector.shape_cast %get3A_805 : vector<1x1x1x16xf32> to vector<16xf32>
    %add3A_807 = arith.addf %get3A_790, %get3A_798 : vector<16xf32>
    %sub3A_808 = arith.subf %add3A_807, %get3A_806 : vector<16xf32>
    %mul3A_809 = arith.mulf %sub3A_808, %sub3A_808 : vector<16xf32>
    %add3A_810 = arith.addf %add3A_518, %mul3A_809 : vector<16xf32>
    %get3A_811 = arith.constant 0 : i32
    %get3A_812 = arith.constant 0 : i32
    %get3A_813 = arith.index_cast %get3A_811 : i32 to index
    %get3A_814 = arith.index_cast %get3A_812 : i32 to index
    %get3A_815 = arith.index_cast %scan3A_754 : i32 to index
    %get3A_816 = arith.constant 32 : index
    %get3A_817 = tpu.vector_load %arg7[%get3A_813, %get3A_814, %get3A_815, %get3A_816] {strides = array<i32>} : memref<2x3x128x128xf32, #tpu.memory_space<vmem>>, vector<1x1x1x16xf32>,
    %get3A_818 = vector.shape_cast %get3A_817 : vector<1x1x1x16xf32> to vector<16xf32>
    %get3A_819 = arith.constant 0 : i32
    %get3A_820 = arith.constant 1 : i32
    %get3A_821 = arith.index_cast %get3A_819 : i32 to index
    %get3A_822 = arith.index_cast %get3A_820 : i32 to index
    %get3A_823 = arith.index_cast %scan3A_754 : i32 to index
    %get3A_824 = arith.constant 32 : index
    %get3A_825 = tpu.vector_load %arg7[%get3A_821, %get3A_822, %get3A_823, %get3A_824] {strides = array<i32>} : memref<2x3x128x128xf32, #tpu.memory_space<vmem>>, vector<1x1x1x16xf32>,
    %get3A_826 = vector.shape_cast %get3A_825 : vector<1x1x1x16xf32> to vector<16xf32>
    %get3A_827 = arith.constant 0 : i32
    %get3A_828 = arith.constant 2 : i32
    %get3A_829 = arith.index_cast %get3A_827 : i32 to index
    %get3A_830 = arith.index_cast %get3A_828 : i32 to index
    %get3A_831 = arith.index_cast %scan3A_754 : i32 to index
    %get3A_832 = arith.constant 32 : index
    %get3A_833 = tpu.vector_load %arg7[%get3A_829, %get3A_830, %get3A_831, %get3A_832] {strides = array<i32>} : memref<2x3x128x128xf32, #tpu.memory_space<vmem>>, vector<1x1x1x16xf32>,
    %get3A_834 = vector.shape_cast %get3A_833 : vector<1x1x1x16xf32> to vector<16xf32>
    %add3A_835 = arith.addf %get3A_818, %get3A_826 : vector<16xf32>
    %sub3A_836 = arith.subf %add3A_835, %get3A_834 : vector<16xf32>
    %mul3A_837 = arith.mulf %sub3A_836, %sub3A_836 : vector<16xf32>
    %add3A_838 = arith.addf %add3A_546, %mul3A_837 : vector<16xf32>
    %get3A_839 = arith.constant 0 : i32
    %get3A_840 = arith.constant 0 : i32
    %get3A_841 = arith.index_cast %get3A_839 : i32 to index
    %get3A_842 = arith.index_cast %get3A_840 : i32 to index
    %get3A_843 = arith.index_cast %scan3A_754 : i32 to index
    %get3A_844 = arith.constant 48 : index
    %get3A_845 = tpu.vector_load %arg7[%get3A_841, %get3A_842, %get3A_843, %get3A_844] {strides = array<i32>} : memref<2x3x128x128xf32, #tpu.memory_space<vmem>>, vector<1x1x1x16xf32>,
    %get3A_846 = vector.shape_cast %get3A_845 : vector<1x1x1x16xf32> to vector<16xf32>
    %get3A_847 = arith.constant 0 : i32
    %get3A_848 = arith.constant 1 : i32
    %get3A_849 = arith.index_cast %get3A_847 : i32 to index
    %get3A_850 = arith.index_cast %get3A_848 : i32 to index
    %get3A_851 = arith.index_cast %scan3A_754 : i32 to index
    %get3A_852 = arith.constant 48 : index
    %get3A_853 = tpu.vector_load %arg7[%get3A_849, %get3A_850, %get3A_851, %get3A_852] {strides = array<i32>} : memref<2x3x128x128xf32, #tpu.memory_space<vmem>>, vector<1x1x1x16xf32>,
    %get3A_854 = vector.shape_cast %get3A_853 : vector<1x1x1x16xf32> to vector<16xf32>
    %get3A_855 = arith.constant 0 : i32
    %get3A_856 = arith.constant 2 : i32
    %get3A_857 = arith.index_cast %get3A_855 : i32 to index
    %get3A_858 = arith.index_cast %get3A_856 : i32 to index
    %get3A_859 = arith.index_cast %scan3A_754 : i32 to index
    %get3A_860 = arith.constant 48 : index
    %get3A_861 = tpu.vector_load %arg7[%get3A_857, %get3A_858, %get3A_859, %get3A_860] {strides = array<i32>} : memref<2x3x128x128xf32, #tpu.memory_space<vmem>>, vector<1x1x1x16xf32>,
    %get3A_862 = vector.shape_cast %get3A_861 : vector<1x1x1x16xf32> to vector<16xf32>
    %add3A_863 = arith.addf %get3A_846, %get3A_854 : vector<16xf32>
    %sub3A_864 = arith.subf %add3A_863, %get3A_862 : vector<16xf32>
    %mul3A_865 = arith.mulf %sub3A_864, %sub3A_864 : vector<16xf32>
    %add3A_866 = arith.addf %add3A_574, %mul3A_865 : vector<16xf32>
    %get3A_867 = arith.constant 0 : i32
    %get3A_868 = arith.constant 0 : i32
    %get3A_869 = arith.index_cast %get3A_867 : i32 to index
    %get3A_870 = arith.index_cast %get3A_868 : i32 to index
    %get3A_871 = arith.index_cast %scan3A_754 : i32 to index
    %get3A_872 = arith.constant 64 : index
    %get3A_873 = tpu.vector_load %arg7[%get3A_869, %get3A_870, %get3A_871, %get3A_872] {strides = array<i32>} : memref<2x3x128x128xf32, #tpu.memory_space<vmem>>, vector<1x1x1x16xf32>,
    %get3A_874 = vector.shape_cast %get3A_873 : vector<1x1x1x16xf32> to vector<16xf32>
    %get3A_875 = arith.constant 0 : i32
    %get3A_876 = arith.constant 1 : i32
    %get3A_877 = arith.index_cast %get3A_875 : i32 to index
    %get3A_878 = arith.index_cast %get3A_876 : i32 to index
    %get3A_879 = arith.index_cast %scan3A_754 : i32 to index
    %get3A_880 = arith.constant 64 : index
    %get3A_881 = tpu.vector_load %arg7[%get3A_877, %get3A_878, %get3A_879, %get3A_880] {strides = array<i32>} : memref<2x3x128x128xf32, #tpu.memory_space<vmem>>, vector<1x1x1x16xf32>,
    %get3A_882 = vector.shape_cast %get3A_881 : vector<1x1x1x16xf32> to vector<16xf32>
    %get3A_883 = arith.constant 0 : i32
    %get3A_884 = arith.constant 2 : i32
    %get3A_885 = arith.index_cast %get3A_883 : i32 to index
    %get3A_886 = arith.index_cast %get3A_884 : i32 to index
    %get3A_887 = arith.index_cast %scan3A_754 : i32 to index
    %get3A_888 = arith.constant 64 : index
    %get3A_889 = tpu.vector_load %arg7[%get3A_885, %get3A_886, %get3A_887, %get3A_888] {strides = array<i32>} : memref<2x3x128x128xf32, #tpu.memory_space<vmem>>, vector<1x1x1x16xf32>,
    %get3A_890 = vector.shape_cast %get3A_889 : vector<1x1x1x16xf32> to vector<16xf32>
    %add3A_891 = arith.addf %get3A_874, %get3A_882 : vector<16xf32>
    %sub3A_892 = arith.subf %add3A_891, %get3A_890 : vector<16xf32>
    %mul3A_893 = arith.mulf %sub3A_892, %sub3A_892 : vector<16xf32>
    %add3A_894 = arith.addf %add3A_602, %mul3A_893 : vector<16xf32>
    %get3A_895 = arith.constant 0 : i32
    %get3A_896 = arith.constant 0 : i32
    %get3A_897 = arith.index_cast %get3A_895 : i32 to index
    %get3A_898 = arith.index_cast %get3A_896 : i32 to index
    %get3A_899 = arith.index_cast %scan3A_754 : i32 to index
    %get3A_900 = arith.constant 80 : index
    %get3A_901 = tpu.vector_load %arg7[%get3A_897, %get3A_898, %get3A_899, %get3A_900] {strides = array<i32>} : memref<2x3x128x128xf32, #tpu.memory_space<vmem>>, vector<1x1x1x16xf32>,
    %get3A_902 = vector.shape_cast %get3A_901 : vector<1x1x1x16xf32> to vector<16xf32>
    %get3A_903 = arith.constant 0 : i32
    %get3A_904 = arith.constant 1 : i32
    %get3A_905 = arith.index_cast %get3A_903 : i32 to index
    %get3A_906 = arith.index_cast %get3A_904 : i32 to index
    %get3A_907 = arith.index_cast %scan3A_754 : i32 to index
    %get3A_908 = arith.constant 80 : index
    %get3A_909 = tpu.vector_load %arg7[%get3A_905, %get3A_906, %get3A_907, %get3A_908] {strides = array<i32>} : memref<2x3x128x128xf32, #tpu.memory_space<vmem>>, vector<1x1x1x16xf32>,
    %get3A_910 = vector.shape_cast %get3A_909 : vector<1x1x1x16xf32> to vector<16xf32>
    %get3A_911 = arith.constant 0 : i32
    %get3A_912 = arith.constant 2 : i32
    %get3A_913 = arith.index_cast %get3A_911 : i32 to index
    %get3A_914 = arith.index_cast %get3A_912 : i32 to index
    %get3A_915 = arith.index_cast %scan3A_754 : i32 to index
    %get3A_916 = arith.constant 80 : index
    %get3A_917 = tpu.vector_load %arg7[%get3A_913, %get3A_914, %get3A_915, %get3A_916] {strides = array<i32>} : memref<2x3x128x128xf32, #tpu.memory_space<vmem>>, vector<1x1x1x16xf32>,
    %get3A_918 = vector.shape_cast %get3A_917 : vector<1x1x1x16xf32> to vector<16xf32>
    %add3A_919 = arith.addf %get3A_902, %get3A_910 : vector<16xf32>
    %sub3A_920 = arith.subf %add3A_919, %get3A_918 : vector<16xf32>
    %mul3A_921 = arith.mulf %sub3A_920, %sub3A_920 : vector<16xf32>
    %add3A_922 = arith.addf %add3A_630, %mul3A_921 : vector<16xf32>
    %get3A_923 = arith.constant 0 : i32
    %get3A_924 = arith.constant 0 : i32
    %get3A_925 = arith.index_cast %get3A_923 : i32 to index
    %get3A_926 = arith.index_cast %get3A_924 : i32 to index
    %get3A_927 = arith.index_cast %scan3A_754 : i32 to index
    %get3A_928 = arith.constant 96 : index
    %get3A_929 = tpu.vector_load %arg7[%get3A_925, %get3A_926, %get3A_927, %get3A_928] {strides = array<i32>} : memref<2x3x128x128xf32, #tpu.memory_space<vmem>>, vector<1x1x1x16xf32>,
    %get3A_930 = vector.shape_cast %get3A_929 : vector<1x1x1x16xf32> to vector<16xf32>
    %get3A_931 = arith.constant 0 : i32
    %get3A_932 = arith.constant 1 : i32
    %get3A_933 = arith.index_cast %get3A_931 : i32 to index
    %get3A_934 = arith.index_cast %get3A_932 : i32 to index
    %get3A_935 = arith.index_cast %scan3A_754 : i32 to index
    %get3A_936 = arith.constant 96 : index
    %get3A_937 = tpu.vector_load %arg7[%get3A_933, %get3A_934, %get3A_935, %get3A_936] {strides = array<i32>} : memref<2x3x128x128xf32, #tpu.memory_space<vmem>>, vector<1x1x1x16xf32>,
    %get3A_938 = vector.shape_cast %get3A_937 : vector<1x1x1x16xf32> to vector<16xf32>
    %get3A_939 = arith.constant 0 : i32
    %get3A_940 = arith.constant 2 : i32
    %get3A_941 = arith.index_cast %get3A_939 : i32 to index
    %get3A_942 = arith.index_cast %get3A_940 : i32 to index
    %get3A_943 = arith.index_cast %scan3A_754 : i32 to index
    %get3A_944 = arith.constant 96 : index
    %get3A_945 = tpu.vector_load %arg7[%get3A_941, %get3A_942, %get3A_943, %get3A_944] {strides = array<i32>} : memref<2x3x128x128xf32, #tpu.memory_space<vmem>>, vector<1x1x1x16xf32>,
    %get3A_946 = vector.shape_cast %get3A_945 : vector<1x1x1x16xf32> to vector<16xf32>
    %add3A_947 = arith.addf %get3A_930, %get3A_938 : vector<16xf32>
    %sub3A_948 = arith.subf %add3A_947, %get3A_946 : vector<16xf32>
    %mul3A_949 = arith.mulf %sub3A_948, %sub3A_948 : vector<16xf32>
    %add3A_950 = arith.addf %add3A_658, %mul3A_949 : vector<16xf32>
    %get3A_951 = arith.constant 0 : i32
    %get3A_952 = arith.constant 0 : i32
    %get3A_953 = arith.index_cast %get3A_951 : i32 to index
    %get3A_954 = arith.index_cast %get3A_952 : i32 to index
    %get3A_955 = arith.index_cast %scan3A_754 : i32 to index
    %get3A_956 = arith.constant 112 : index
    %get3A_957 = tpu.vector_load %arg7[%get3A_953, %get3A_954, %get3A_955, %get3A_956] {strides = array<i32>} : memref<2x3x128x128xf32, #tpu.memory_space<vmem>>, vector<1x1x1x16xf32>,
    %get3A_958 = vector.shape_cast %get3A_957 : vector<1x1x1x16xf32> to vector<16xf32>
    %get3A_959 = arith.constant 0 : i32
    %get3A_960 = arith.constant 1 : i32
    %get3A_961 = arith.index_cast %get3A_959 : i32 to index
    %get3A_962 = arith.index_cast %get3A_960 : i32 to index
    %get3A_963 = arith.index_cast %scan3A_754 : i32 to index
    %get3A_964 = arith.constant 112 : index
    %get3A_965 = tpu.vector_load %arg7[%get3A_961, %get3A_962, %get3A_963, %get3A_964] {strides = array<i32>} : memref<2x3x128x128xf32, #tpu.memory_space<vmem>>, vector<1x1x1x16xf32>,
    %get3A_966 = vector.shape_cast %get3A_965 : vector<1x1x1x16xf32> to vector<16xf32>
    %get3A_967 = arith.constant 0 : i32
    %get3A_968 = arith.constant 2 : i32
    %get3A_969 = arith.index_cast %get3A_967 : i32 to index
    %get3A_970 = arith.index_cast %get3A_968 : i32 to index
    %get3A_971 = arith.index_cast %scan3A_754 : i32 to index
    %get3A_972 = arith.constant 112 : index
    %get3A_973 = tpu.vector_load %arg7[%get3A_969, %get3A_970, %get3A_971, %get3A_972] {strides = array<i32>} : memref<2x3x128x128xf32, #tpu.memory_space<vmem>>, vector<1x1x1x16xf32>,
    %get3A_974 = vector.shape_cast %get3A_973 : vector<1x1x1x16xf32> to vector<16xf32>
    %add3A_975 = arith.addf %get3A_958, %get3A_966 : vector<16xf32>
    %sub3A_976 = arith.subf %add3A_975, %get3A_974 : vector<16xf32>
    %mul3A_977 = arith.mulf %sub3A_976, %sub3A_976 : vector<16xf32>
    %add3A_978 = arith.addf %add3A_686, %mul3A_977 : vector<16xf32>
    %scan3A_979 = arith.constant 1 : i32
    %dma_wait3A_980 = arith.constant 1 : i32
    %dma_wait3A_981 = arith.constant 0 : i32
    %dma_wait3A_982 = arith.constant 0 : i32
    %dma_wait3A_983 = arith.constant 0 : i32
    %dma_wait3A_984 = tpu.memref_slice %arg7[%dma_wait3A_980, %dma_wait3A_981, %dma_wait3A_982, %dma_wait3A_983] : memref<2x3x128x128xf32, #tpu.memory_space<vmem>> -> memref<1x1x128x128xf32, #tpu.memory_space<vmem>>
    %dma_wait3A_985 = tpu.memref_squeeze %dma_wait3A_984 : memref<1x1x128x128xf32, #tpu.memory_space<vmem>> -> memref<128x128xf32, #tpu.memory_space<vmem>>
    %dma_wait3A_986 = arith.constant 384 : i32
    %dma_wait3A_987 = tpu.memref_slice %arg6[%dma_wait3A_986] : memref<1536xi32, #tpu.memory_space<vmem>> -> memref<128xi32, #tpu.memory_space<vmem>>
    %dma_wait3A_988 = arith.constant 0 : i32
    %dma_wait3A_989 = arith.constant 0 : i32
    %dma_wait3A_990 = tpu.memref_slice %arg2[%dma_wait3A_988, %dma_wait3A_989] : memref<100000x128xf32, #tpu.memory_space<hbm>> -> memref<100000x128xf32, #tpu.memory_space<hbm>>
    tpu.wait_indirect_dma semaphore(%arg10 : memref<!tpu.dma_semaphore, #tpu.memory_space<semaphore_mem>>) src(%dma_wait3A_990 : memref<100000x128xf32, #tpu.memory_space<hbm>>) dst(%dma_wait3A_985 : memref<128x128xf32, #tpu.memory_space<vmem>>)
    %dma_wait3A_991 = arith.constant 1 : i32
    %dma_wait3A_992 = arith.constant 1 : i32
    %dma_wait3A_993 = arith.constant 0 : i32
    %dma_wait3A_994 = arith.constant 0 : i32
    %dma_wait3A_995 = tpu.memref_slice %arg7[%dma_wait3A_991, %dma_wait3A_992, %dma_wait3A_993, %dma_wait3A_994] : memref<2x3x128x128xf32, #tpu.memory_space<vmem>> -> memref<1x1x128x128xf32, #tpu.memory_space<vmem>>
    %dma_wait3A_996 = tpu.memref_squeeze %dma_wait3A_995 : memref<1x1x128x128xf32, #tpu.memory_space<vmem>> -> memref<128x128xf32, #tpu.memory_space<vmem>>
    %dma_wait3A_997 = arith.constant 896 : i32
    %dma_wait3A_998 = tpu.memref_slice %arg6[%dma_wait3A_997] : memref<1536xi32, #tpu.memory_space<vmem>> -> memref<128xi32, #tpu.memory_space<vmem>>
    %dma_wait3A_999 = arith.constant 0 : i32
    %dma_wait3A_1000 = arith.constant 0 : i32
    %dma_wait3A_1001 = tpu.memref_slice %arg3[%dma_wait3A_999, %dma_wait3A_1000] : memref<100000x128xf32, #tpu.memory_space<hbm>> -> memref<100000x128xf32, #tpu.memory_space<hbm>>
    tpu.wait_indirect_dma semaphore(%arg10 : memref<!tpu.dma_semaphore, #tpu.memory_space<semaphore_mem>>) src(%dma_wait3A_1001 : memref<100000x128xf32, #tpu.memory_space<hbm>>) dst(%dma_wait3A_996 : memref<128x128xf32, #tpu.memory_space<vmem>>)
    %dma_wait3A_1002 = arith.constant 1 : i32
    %dma_wait3A_1003 = arith.constant 2 : i32
    %dma_wait3A_1004 = arith.constant 0 : i32
    %dma_wait3A_1005 = arith.constant 0 : i32
    %dma_wait3A_1006 = tpu.memref_slice %arg7[%dma_wait3A_1002, %dma_wait3A_1003, %dma_wait3A_1004, %dma_wait3A_1005] : memref<2x3x128x128xf32, #tpu.memory_space<vmem>> -> memref<1x1x128x128xf32, #tpu.memory_space<vmem>>
    %dma_wait3A_1007 = tpu.memref_squeeze %dma_wait3A_1006 : memref<1x1x128x128xf32, #tpu.memory_space<vmem>> -> memref<128x128xf32, #tpu.memory_space<vmem>>
    %dma_wait3A_1008 = arith.constant 1408 : i32
    %dma_wait3A_1009 = tpu.memref_slice %arg6[%dma_wait3A_1008] : memref<1536xi32, #tpu.memory_space<vmem>> -> memref<128xi32, #tpu.memory_space<vmem>>
    %dma_wait3A_1010 = arith.constant 0 : i32
    %dma_wait3A_1011 = arith.constant 0 : i32
    %dma_wait3A_1012 = tpu.memref_slice %arg2[%dma_wait3A_1010, %dma_wait3A_1011] : memref<100000x128xf32, #tpu.memory_space<hbm>> -> memref<100000x128xf32, #tpu.memory_space<hbm>>
    tpu.wait_indirect_dma semaphore(%arg10 : memref<!tpu.dma_semaphore, #tpu.memory_space<semaphore_mem>>) src(%dma_wait3A_1012 : memref<100000x128xf32, #tpu.memory_space<hbm>>) dst(%dma_wait3A_1007 : memref<128x128xf32, #tpu.memory_space<vmem>>)
    %scan3A_1013 = arith.constant 0 : i32
    %get3A_1014 = arith.constant 1 : i32
    %get3A_1015 = arith.constant 0 : i32
    %get3A_1016 = arith.index_cast %get3A_1014 : i32 to index
    %get3A_1017 = arith.index_cast %get3A_1015 : i32 to index
    %get3A_1018 = arith.index_cast %scan3A_1013 : i32 to index
    %get3A_1019 = arith.constant 0 : index
    %get3A_1020 = tpu.vector_load %arg7[%get3A_1016, %get3A_1017, %get3A_1018, %get3A_1019] {strides = array<i32>} : memref<2x3x128x128xf32, #tpu.memory_space<vmem>>, vector<1x1x1x16xf32>,
    %get3A_1021 = vector.shape_cast %get3A_1020 : vector<1x1x1x16xf32> to vector<16xf32>
    %get3A_1022 = arith.constant 1 : i32
    %get3A_1023 = arith.constant 1 : i32
    %get3A_1024 = arith.index_cast %get3A_1022 : i32 to index
    %get3A_1025 = arith.index_cast %get3A_1023 : i32 to index
    %get3A_1026 = arith.index_cast %scan3A_1013 : i32 to index
    %get3A_1027 = arith.constant 0 : index
    %get3A_1028 = tpu.vector_load %arg7[%get3A_1024, %get3A_1025, %get3A_1026, %get3A_1027] {strides = array<i32>} : memref<2x3x128x128xf32, #tpu.memory_space<vmem>>, vector<1x1x1x16xf32>,
    %get3A_1029 = vector.shape_cast %get3A_1028 : vector<1x1x1x16xf32> to vector<16xf32>
    %get3A_1030 = arith.constant 1 : i32
    %get3A_1031 = arith.constant 2 : i32
    %get3A_1032 = arith.index_cast %get3A_1030 : i32 to index
    %get3A_1033 = arith.index_cast %get3A_1031 : i32 to index
    %get3A_1034 = arith.index_cast %scan3A_1013 : i32 to index
    %get3A_1035 = arith.constant 0 : index
    %get3A_1036 = tpu.vector_load %arg7[%get3A_1032, %get3A_1033, %get3A_1034, %get3A_1035] {strides = array<i32>} : memref<2x3x128x128xf32, #tpu.memory_space<vmem>>, vector<1x1x1x16xf32>,
    %get3A_1037 = vector.shape_cast %get3A_1036 : vector<1x1x1x16xf32> to vector<16xf32>
    %add3A_1038 = arith.addf %get3A_1021, %get3A_1029 : vector<16xf32>
    %sub3A_1039 = arith.subf %add3A_1038, %get3A_1037 : vector<16xf32>
    %mul3A_1040 = arith.mulf %sub3A_1039, %sub3A_1039 : vector<16xf32>
    %add3A_1041 = arith.addf %add3A_782, %mul3A_1040 : vector<16xf32>
    %get3A_1042 = arith.constant 1 : i32
    %get3A_1043 = arith.constant 0 : i32
    %get3A_1044 = arith.index_cast %get3A_1042 : i32 to index
    %get3A_1045 = arith.index_cast %get3A_1043 : i32 to index
    %get3A_1046 = arith.index_cast %scan3A_1013 : i32 to index
    %get3A_1047 = arith.constant 16 : index
    %get3A_1048 = tpu.vector_load %arg7[%get3A_1044, %get3A_1045, %get3A_1046, %get3A_1047] {strides = array<i32>} : memref<2x3x128x128xf32, #tpu.memory_space<vmem>>, vector<1x1x1x16xf32>,
    %get3A_1049 = vector.shape_cast %get3A_1048 : vector<1x1x1x16xf32> to vector<16xf32>
    %get3A_1050 = arith.constant 1 : i32
    %get3A_1051 = arith.constant 1 : i32
    %get3A_1052 = arith.index_cast %get3A_1050 : i32 to index
    %get3A_1053 = arith.index_cast %get3A_1051 : i32 to index
    %get3A_1054 = arith.index_cast %scan3A_1013 : i32 to index
    %get3A_1055 = arith.constant 16 : index
    %get3A_1056 = tpu.vector_load %arg7[%get3A_1052, %get3A_1053, %get3A_1054, %get3A_1055] {strides = array<i32>} : memref<2x3x128x128xf32, #tpu.memory_space<vmem>>, vector<1x1x1x16xf32>,
    %get3A_1057 = vector.shape_cast %get3A_1056 : vector<1x1x1x16xf32> to vector<16xf32>
    %get3A_1058 = arith.constant 1 : i32
    %get3A_1059 = arith.constant 2 : i32
    %get3A_1060 = arith.index_cast %get3A_1058 : i32 to index
    %get3A_1061 = arith.index_cast %get3A_1059 : i32 to index
    %get3A_1062 = arith.index_cast %scan3A_1013 : i32 to index
    %get3A_1063 = arith.constant 16 : index
    %get3A_1064 = tpu.vector_load %arg7[%get3A_1060, %get3A_1061, %get3A_1062, %get3A_1063] {strides = array<i32>} : memref<2x3x128x128xf32, #tpu.memory_space<vmem>>, vector<1x1x1x16xf32>,
    %get3A_1065 = vector.shape_cast %get3A_1064 : vector<1x1x1x16xf32> to vector<16xf32>
    %add3A_1066 = arith.addf %get3A_1049, %get3A_1057 : vector<16xf32>
    %sub3A_1067 = arith.subf %add3A_1066, %get3A_1065 : vector<16xf32>
    %mul3A_1068 = arith.mulf %sub3A_1067, %sub3A_1067 : vector<16xf32>
    %add3A_1069 = arith.addf %add3A_810, %mul3A_1068 : vector<16xf32>
    %get3A_1070 = arith.constant 1 : i32
    %get3A_1071 = arith.constant 0 : i32
    %get3A_1072 = arith.index_cast %get3A_1070 : i32 to index
    %get3A_1073 = arith.index_cast %get3A_1071 : i32 to index
    %get3A_1074 = arith.index_cast %scan3A_1013 : i32 to index
    %get3A_1075 = arith.constant 32 : index
    %get3A_1076 = tpu.vector_load %arg7[%get3A_1072, %get3A_1073, %get3A_1074, %get3A_1075] {strides = array<i32>} : memref<2x3x128x128xf32, #tpu.memory_space<vmem>>, vector<1x1x1x16xf32>,
    %get3A_1077 = vector.shape_cast %get3A_1076 : vector<1x1x1x16xf32> to vector<16xf32>
    %get3A_1078 = arith.constant 1 : i32
    %get3A_1079 = arith.constant 1 : i32
    %get3A_1080 = arith.index_cast %get3A_1078 : i32 to index
    %get3A_1081 = arith.index_cast %get3A_1079 : i32 to index
    %get3A_1082 = arith.index_cast %scan3A_1013 : i32 to index
    %get3A_1083 = arith.constant 32 : index
    %get3A_1084 = tpu.vector_load %arg7[%get3A_1080, %get3A_1081, %get3A_1082, %get3A_1083] {strides = array<i32>} : memref<2x3x128x128xf32, #tpu.memory_space<vmem>>, vector<1x1x1x16xf32>,
    %get3A_1085 = vector.shape_cast %get3A_1084 : vector<1x1x1x16xf32> to vector<16xf32>
    %get3A_1086 = arith.constant 1 : i32
    %get3A_1087 = arith.constant 2 : i32
    %get3A_1088 = arith.index_cast %get3A_1086 : i32 to index
    %get3A_1089 = arith.index_cast %get3A_1087 : i32 to index
    %get3A_1090 = arith.index_cast %scan3A_1013 : i32 to index
    %get3A_1091 = arith.constant 32 : index
    %get3A_1092 = tpu.vector_load %arg7[%get3A_1088, %get3A_1089, %get3A_1090, %get3A_1091] {strides = array<i32>} : memref<2x3x128x128xf32, #tpu.memory_space<vmem>>, vector<1x1x1x16xf32>,
    %get3A_1093 = vector.shape_cast %get3A_1092 : vector<1x1x1x16xf32> to vector<16xf32>
    %add3A_1094 = arith.addf %get3A_1077, %get3A_1085 : vector<16xf32>
    %sub3A_1095 = arith.subf %add3A_1094, %get3A_1093 : vector<16xf32>
    %mul3A_1096 = arith.mulf %sub3A_1095, %sub3A_1095 : vector<16xf32>
    %add3A_1097 = arith.addf %add3A_838, %mul3A_1096 : vector<16xf32>
    %get3A_1098 = arith.constant 1 : i32
    %get3A_1099 = arith.constant 0 : i32
    %get3A_1100 = arith.index_cast %get3A_1098 : i32 to index
    %get3A_1101 = arith.index_cast %get3A_1099 : i32 to index
    %get3A_1102 = arith.index_cast %scan3A_1013 : i32 to index
    %get3A_1103 = arith.constant 48 : index
    %get3A_1104 = tpu.vector_load %arg7[%get3A_1100, %get3A_1101, %get3A_1102, %get3A_1103] {strides = array<i32>} : memref<2x3x128x128xf32, #tpu.memory_space<vmem>>, vector<1x1x1x16xf32>,
    %get3A_1105 = vector.shape_cast %get3A_1104 : vector<1x1x1x16xf32> to vector<16xf32>
    %get3A_1106 = arith.constant 1 : i32
    %get3A_1107 = arith.constant 1 : i32
    %get3A_1108 = arith.index_cast %get3A_1106 : i32 to index
    %get3A_1109 = arith.index_cast %get3A_1107 : i32 to index
    %get3A_1110 = arith.index_cast %scan3A_1013 : i32 to index
    %get3A_1111 = arith.constant 48 : index
    %get3A_1112 = tpu.vector_load %arg7[%get3A_1108, %get3A_1109, %get3A_1110, %get3A_1111] {strides = array<i32>} : memref<2x3x128x128xf32, #tpu.memory_space<vmem>>, vector<1x1x1x16xf32>,
    %get3A_1113 = vector.shape_cast %get3A_1112 : vector<1x1x1x16xf32> to vector<16xf32>
    %get3A_1114 = arith.constant 1 : i32
    %get3A_1115 = arith.constant 2 : i32
    %get3A_1116 = arith.index_cast %get3A_1114 : i32 to index
    %get3A_1117 = arith.index_cast %get3A_1115 : i32 to index
    %get3A_1118 = arith.index_cast %scan3A_1013 : i32 to index
    %get3A_1119 = arith.constant 48 : index
    %get3A_1120 = tpu.vector_load %arg7[%get3A_1116, %get3A_1117, %get3A_1118, %get3A_1119] {strides = array<i32>} : memref<2x3x128x128xf32, #tpu.memory_space<vmem>>, vector<1x1x1x16xf32>,
    %get3A_1121 = vector.shape_cast %get3A_1120 : vector<1x1x1x16xf32> to vector<16xf32>
    %add3A_1122 = arith.addf %get3A_1105, %get3A_1113 : vector<16xf32>
    %sub3A_1123 = arith.subf %add3A_1122, %get3A_1121 : vector<16xf32>
    %mul3A_1124 = arith.mulf %sub3A_1123, %sub3A_1123 : vector<16xf32>
    %add3A_1125 = arith.addf %add3A_866, %mul3A_1124 : vector<16xf32>
    %get3A_1126 = arith.constant 1 : i32
    %get3A_1127 = arith.constant 0 : i32
    %get3A_1128 = arith.index_cast %get3A_1126 : i32 to index
    %get3A_1129 = arith.index_cast %get3A_1127 : i32 to index
    %get3A_1130 = arith.index_cast %scan3A_1013 : i32 to index
    %get3A_1131 = arith.constant 64 : index
    %get3A_1132 = tpu.vector_load %arg7[%get3A_1128, %get3A_1129, %get3A_1130, %get3A_1131] {strides = array<i32>} : memref<2x3x128x128xf32, #tpu.memory_space<vmem>>, vector<1x1x1x16xf32>,
    %get3A_1133 = vector.shape_cast %get3A_1132 : vector<1x1x1x16xf32> to vector<16xf32>
    %get3A_1134 = arith.constant 1 : i32
    %get3A_1135 = arith.constant 1 : i32
    %get3A_1136 = arith.index_cast %get3A_1134 : i32 to index
    %get3A_1137 = arith.index_cast %get3A_1135 : i32 to index
    %get3A_1138 = arith.index_cast %scan3A_1013 : i32 to index
    %get3A_1139 = arith.constant 64 : index
    %get3A_1140 = tpu.vector_load %arg7[%get3A_1136, %get3A_1137, %get3A_1138, %get3A_1139] {strides = array<i32>} : memref<2x3x128x128xf32, #tpu.memory_space<vmem>>, vector<1x1x1x16xf32>,
    %get3A_1141 = vector.shape_cast %get3A_1140 : vector<1x1x1x16xf32> to vector<16xf32>
    %get3A_1142 = arith.constant 1 : i32
    %get3A_1143 = arith.constant 2 : i32
    %get3A_1144 = arith.index_cast %get3A_1142 : i32 to index
    %get3A_1145 = arith.index_cast %get3A_1143 : i32 to index
    %get3A_1146 = arith.index_cast %scan3A_1013 : i32 to index
    %get3A_1147 = arith.constant 64 : index
    %get3A_1148 = tpu.vector_load %arg7[%get3A_1144, %get3A_1145, %get3A_1146, %get3A_1147] {strides = array<i32>} : memref<2x3x128x128xf32, #tpu.memory_space<vmem>>, vector<1x1x1x16xf32>,
    %get3A_1149 = vector.shape_cast %get3A_1148 : vector<1x1x1x16xf32> to vector<16xf32>
    %add3A_1150 = arith.addf %get3A_1133, %get3A_1141 : vector<16xf32>
    %sub3A_1151 = arith.subf %add3A_1150, %get3A_1149 : vector<16xf32>
    %mul3A_1152 = arith.mulf %sub3A_1151, %sub3A_1151 : vector<16xf32>
    %add3A_1153 = arith.addf %add3A_894, %mul3A_1152 : vector<16xf32>
    %get3A_1154 = arith.constant 1 : i32
    %get3A_1155 = arith.constant 0 : i32
    %get3A_1156 = arith.index_cast %get3A_1154 : i32 to index
    %get3A_1157 = arith.index_cast %get3A_1155 : i32 to index
    %get3A_1158 = arith.index_cast %scan3A_1013 : i32 to index
    %get3A_1159 = arith.constant 80 : index
    %get3A_1160 = tpu.vector_load %arg7[%get3A_1156, %get3A_1157, %get3A_1158, %get3A_1159] {strides = array<i32>} : memref<2x3x128x128xf32, #tpu.memory_space<vmem>>, vector<1x1x1x16xf32>,
    %get3A_1161 = vector.shape_cast %get3A_1160 : vector<1x1x1x16xf32> to vector<16xf32>
    %get3A_1162 = arith.constant 1 : i32
    %get3A_1163 = arith.constant 1 : i32
    %get3A_1164 = arith.index_cast %get3A_1162 : i32 to index
    %get3A_1165 = arith.index_cast %get3A_1163 : i32 to index
    %get3A_1166 = arith.index_cast %scan3A_1013 : i32 to index
    %get3A_1167 = arith.constant 80 : index
    %get3A_1168 = tpu.vector_load %arg7[%get3A_1164, %get3A_1165, %get3A_1166, %get3A_1167] {strides = array<i32>} : memref<2x3x128x128xf32, #tpu.memory_space<vmem>>, vector<1x1x1x16xf32>,
    %get3A_1169 = vector.shape_cast %get3A_1168 : vector<1x1x1x16xf32> to vector<16xf32>
    %get3A_1170 = arith.constant 1 : i32
    %get3A_1171 = arith.constant 2 : i32
    %get3A_1172 = arith.index_cast %get3A_1170 : i32 to index
    %get3A_1173 = arith.index_cast %get3A_1171 : i32 to index
    %get3A_1174 = arith.index_cast %scan3A_1013 : i32 to index
    %get3A_1175 = arith.constant 80 : index
    %get3A_1176 = tpu.vector_load %arg7[%get3A_1172, %get3A_1173, %get3A_1174, %get3A_1175] {strides = array<i32>} : memref<2x3x128x128xf32, #tpu.memory_space<vmem>>, vector<1x1x1x16xf32>,
    %get3A_1177 = vector.shape_cast %get3A_1176 : vector<1x1x1x16xf32> to vector<16xf32>
    %add3A_1178 = arith.addf %get3A_1161, %get3A_1169 : vector<16xf32>
    %sub3A_1179 = arith.subf %add3A_1178, %get3A_1177 : vector<16xf32>
    %mul3A_1180 = arith.mulf %sub3A_1179, %sub3A_1179 : vector<16xf32>
    %add3A_1181 = arith.addf %add3A_922, %mul3A_1180 : vector<16xf32>
    %get3A_1182 = arith.constant 1 : i32
    %get3A_1183 = arith.constant 0 : i32
    %get3A_1184 = arith.index_cast %get3A_1182 : i32 to index
    %get3A_1185 = arith.index_cast %get3A_1183 : i32 to index
    %get3A_1186 = arith.index_cast %scan3A_1013 : i32 to index
    %get3A_1187 = arith.constant 96 : index
    %get3A_1188 = tpu.vector_load %arg7[%get3A_1184, %get3A_1185, %get3A_1186, %get3A_1187] {strides = array<i32>} : memref<2x3x128x128xf32, #tpu.memory_space<vmem>>, vector<1x1x1x16xf32>,
    %get3A_1189 = vector.shape_cast %get3A_1188 : vector<1x1x1x16xf32> to vector<16xf32>
    %get3A_1190 = arith.constant 1 : i32
    %get3A_1191 = arith.constant 1 : i32
    %get3A_1192 = arith.index_cast %get3A_1190 : i32 to index
    %get3A_1193 = arith.index_cast %get3A_1191 : i32 to index
    %get3A_1194 = arith.index_cast %scan3A_1013 : i32 to index
    %get3A_1195 = arith.constant 96 : index
    %get3A_1196 = tpu.vector_load %arg7[%get3A_1192, %get3A_1193, %get3A_1194, %get3A_1195] {strides = array<i32>} : memref<2x3x128x128xf32, #tpu.memory_space<vmem>>, vector<1x1x1x16xf32>,
    %get3A_1197 = vector.shape_cast %get3A_1196 : vector<1x1x1x16xf32> to vector<16xf32>
    %get3A_1198 = arith.constant 1 : i32
    %get3A_1199 = arith.constant 2 : i32
    %get3A_1200 = arith.index_cast %get3A_1198 : i32 to index
    %get3A_1201 = arith.index_cast %get3A_1199 : i32 to index
    %get3A_1202 = arith.index_cast %scan3A_1013 : i32 to index
    %get3A_1203 = arith.constant 96 : index
    %get3A_1204 = tpu.vector_load %arg7[%get3A_1200, %get3A_1201, %get3A_1202, %get3A_1203] {strides = array<i32>} : memref<2x3x128x128xf32, #tpu.memory_space<vmem>>, vector<1x1x1x16xf32>,
    %get3A_1205 = vector.shape_cast %get3A_1204 : vector<1x1x1x16xf32> to vector<16xf32>
    %add3A_1206 = arith.addf %get3A_1189, %get3A_1197 : vector<16xf32>
    %sub3A_1207 = arith.subf %add3A_1206, %get3A_1205 : vector<16xf32>
    %mul3A_1208 = arith.mulf %sub3A_1207, %sub3A_1207 : vector<16xf32>
    %add3A_1209 = arith.addf %add3A_950, %mul3A_1208 : vector<16xf32>
    %get3A_1210 = arith.constant 1 : i32
    %get3A_1211 = arith.constant 0 : i32
    %get3A_1212 = arith.index_cast %get3A_1210 : i32 to index
    %get3A_1213 = arith.index_cast %get3A_1211 : i32 to index
    %get3A_1214 = arith.index_cast %scan3A_1013 : i32 to index
    %get3A_1215 = arith.constant 112 : index
    %get3A_1216 = tpu.vector_load %arg7[%get3A_1212, %get3A_1213, %get3A_1214, %get3A_1215] {strides = array<i32>} : memref<2x3x128x128xf32, #tpu.memory_space<vmem>>, vector<1x1x1x16xf32>,
    %get3A_1217 = vector.shape_cast %get3A_1216 : vector<1x1x1x16xf32> to vector<16xf32>
    %get3A_1218 = arith.constant 1 : i32
    %get3A_1219 = arith.constant 1 : i32
    %get3A_1220 = arith.index_cast %get3A_1218 : i32 to index
    %get3A_1221 = arith.index_cast %get3A_1219 : i32 to index
    %get3A_1222 = arith.index_cast %scan3A_1013 : i32 to index
    %get3A_1223 = arith.constant 112 : index
    %get3A_1224 = tpu.vector_load %arg7[%get3A_1220, %get3A_1221, %get3A_1222, %get3A_1223] {strides = array<i32>} : memref<2x3x128x128xf32, #tpu.memory_space<vmem>>, vector<1x1x1x16xf32>,
    %get3A_1225 = vector.shape_cast %get3A_1224 : vector<1x1x1x16xf32> to vector<16xf32>
    %get3A_1226 = arith.constant 1 : i32
    %get3A_1227 = arith.constant 2 : i32
    %get3A_1228 = arith.index_cast %get3A_1226 : i32 to index
    %get3A_1229 = arith.index_cast %get3A_1227 : i32 to index
    %get3A_1230 = arith.index_cast %scan3A_1013 : i32 to index
    %get3A_1231 = arith.constant 112 : index
    %get3A_1232 = tpu.vector_load %arg7[%get3A_1228, %get3A_1229, %get3A_1230, %get3A_1231] {strides = array<i32>} : memref<2x3x128x128xf32, #tpu.memory_space<vmem>>, vector<1x1x1x16xf32>,
    %get3A_1233 = vector.shape_cast %get3A_1232 : vector<1x1x1x16xf32> to vector<16xf32>
    %add3A_1234 = arith.addf %get3A_1217, %get3A_1225 : vector<16xf32>
    %sub3A_1235 = arith.subf %add3A_1234, %get3A_1233 : vector<16xf32>
    %mul3A_1236 = arith.mulf %sub3A_1235, %sub3A_1235 : vector<16xf32>
    %add3A_1237 = arith.addf %add3A_978, %mul3A_1236 : vector<16xf32>
    %scan3A_1238 = arith.constant 1 : i32
    %add3A_1239 = arith.addf %add3A_1041, %add3A_1069 : vector<16xf32>
    %add3A_1240 = arith.addf %add3A_1239, %add3A_1097 : vector<16xf32>
    %add3A_1241 = arith.addf %add3A_1240, %add3A_1125 : vector<16xf32>
    %add3A_1242 = arith.addf %add3A_1241, %add3A_1153 : vector<16xf32>
    %add3A_1243 = arith.addf %add3A_1242, %add3A_1181 : vector<16xf32>
    %add3A_1244 = arith.addf %add3A_1243, %add3A_1209 : vector<16xf32>
    %add3A_1245 = arith.addf %add3A_1244, %add3A_1237 : vector<16xf32>
    %swap3A = arith.constant 0 : index
    %swap3A_1246 = tpu.vector_load %arg8[%swap3A] {strides = array<i32>} : memref<16xf32, #tpu.memory_space<vmem>>, vector<16xf32>,
    %swap3A_1247 = vector.shape_cast %swap3A_1246 : vector<16xf32> to vector<16xf32>
    %swap3A_1248 = vector.shape_cast %add3A_1245 : vector<16xf32> to vector<16xf32>
    tpu.vector_store %arg8[%swap3A], %swap3A_1248 {strides = array<i32>} : memref<16xf32, #tpu.memory_space<vmem>>, vector<16xf32>,
    "tpu.region"() ({
      %run_scoped3A = tpu.sem_alloc : memref<!tpu.dma_semaphore, #tpu.memory_space<semaphore_mem>>
      %dma_start3A_1249 = arith.constant 0 : i32
      %dma_start3A_1250 = tpu.memref_slice %arg5[%add3A, %dma_start3A_1249] : memref<32x16xf32, #tpu.memory_space<hbm>> -> memref<1x16xf32, #tpu.memory_space<hbm>>
      %dma_start3A_1251 = tpu.memref_squeeze %dma_start3A_1250 : memref<1x16xf32, #tpu.memory_space<hbm>> -> memref<16xf32, #tpu.memory_space<hbm>>
      %dma_start3A_1252 = arith.constant 0 : i32
      %dma_start3A_1253 = tpu.memref_slice %arg5[%add3A, %dma_start3A_1252] : memref<32x16xf32, #tpu.memory_space<hbm>> -> memref<1x16xf32, #tpu.memory_space<hbm>>
      %dma_start3A_1254 = tpu.memref_squeeze %dma_start3A_1253 : memref<1x16xf32, #tpu.memory_space<hbm>> -> memref<16xf32, #tpu.memory_space<hbm>>
      tpu.enqueue_dma source(%arg8 : memref<16xf32, #tpu.memory_space<vmem>>) target(%dma_start3A_1254 : memref<16xf32, #tpu.memory_space<hbm>>) target_semaphore(%run_scoped3A : memref<!tpu.dma_semaphore, #tpu.memory_space<semaphore_mem>>)
      %dma_wait3A_1255 = arith.constant 0 : i32
      %dma_wait3A_1256 = tpu.memref_slice %arg5[%add3A, %dma_wait3A_1255] : memref<32x16xf32, #tpu.memory_space<hbm>> -> memref<1x16xf32, #tpu.memory_space<hbm>>
      %dma_wait3A_1257 = tpu.memref_squeeze %dma_wait3A_1256 : memref<1x16xf32, #tpu.memory_space<hbm>> -> memref<16xf32, #tpu.memory_space<hbm>>
      %dma_wait3A_1258 = arith.constant 0 : i32
      %dma_wait3A_1259 = tpu.memref_slice %arg5[%add3A, %dma_wait3A_1258] : memref<32x16xf32, #tpu.memory_space<hbm>> -> memref<1x16xf32, #tpu.memory_space<hbm>>
      %dma_wait3A_1260 = tpu.memref_squeeze %dma_wait3A_1259 : memref<1x16xf32, #tpu.memory_space<hbm>> -> memref<16xf32, #tpu.memory_space<hbm>>
      tpu.wait_dma2 semaphore(%run_scoped3A : memref<!tpu.dma_semaphore, #tpu.memory_space<semaphore_mem>>) src(%arg8 : memref<16xf32, #tpu.memory_space<vmem>>) dst(%dma_wait3A_1260 : memref<16xf32, #tpu.memory_space<hbm>>)
      tpu.yield
    }) : () -> ()
    return
  }
}

</mosaic_0001>

<sc_bundles>
// kernel: kernel.3.cloned.1.call-start
scs
__scs_entry_jumppad:
0x0: {  	(pc) =	sbr.rel $0x88, $3  }
0x1: {  	(tag) =	ssettag $0x0;
	lr =	simm.s32 $0x1  }
0x2: {  	[smem:$0x3F9E] =	sst lr;
	_ =	strace $0xD0000000  }
0x3: {  	_ = 	snop  }
0x4: {  	_ = 	snop  }
0x5: {  	_ = 	snop  }
0x6: {  	_ = 	snop  }
0x7: {  	_ = 	snop  }
__scs_overlays_trampoline_lowered:
0x8: {  	[smem:$0x3FAD] =	sst s0  }
0x9: {  	[smem:$0x3FAE] =	sst s1  }
0xa: {  	[smem:$0x3FAF] =	sst s2  }
0xb: {  	[smem:$0x3FB0] =	sst s3  }
0xc: {  	[smem:$0x3FB1] =	sst s4  }
0xd: {  	[smem:$0x3FB2] =	sst s5  }
0xe: {  	[smem:$0x3FB3] =	sst s6  }
0xf: {  	[smem:$0x3FB4] =	sst s7  }
0x10: {  	[smem:$0x3FB5] =	sst s8  }
0x11: {  	[smem:$0x3FB6] =	sst s9;
	s0 =	simm.s32 @!p0 $0x0  }
0x12: {  	s1 =	sld [smem:$0x3F9C];
	s0 =	simm.s32 @p0 $0x1  }
0x13: {  	[smem:$0x3FB7] =	sst s0;
	s0 =	simm.s32 @!p1 $0x0  }
0x14: {  	s2 =	sld [smem:$0x3F9B];
	s0 =	simm.s32 @p1 $0x1  }
0x15: {  	[smem:$0x3FB8] =	sst s0;
	s0 =	simm.s32 @!p2 $0x0  }
0x16: {  	s3 =	sld [smem:$0x3FDB];
	s0 =	simm.s32 @p2 $0x1  }
0x17: {  	s4 =	simm.s32 $0x1BF5;
	[smem:$0x3FBA] =	sst s0  }
0x18: {  	s0 =	sld [smem:$0x3F9D];
	_ =	swait.ge [sflag:s4], $0x0  }
0x19: {  	s7 =	sld [smem:$0x3F9E]  }
0x1a: {  	s8 =	sadd.s32 $0xFFFFE003, lr  }
0x1b: {  	s9 =	sadd.s32 $0xFFFFFEF7, lr;
	s5 =	simm.s32 $0xFFFFFFFF;
	p2 =	slt.u32 s8, $0xFFFFF086  }
0x1c: {  	p1 =	slt.u32 s9, $0xF7A;
	s5 =	simm.s32 @!p2 $0x0  }
0x1d: {  	s5 =	simm.s32 @p1 $0x1;
	p0 =	seq.s32 s7, s2  }
0x1e: {  	s7 =	smul.u32 @!p0 $0xF7A, s2;
	p2 =	seq.s32 @!p0 s5, $0x0  }
0x1f: {  	s9 =	smul.u32 $0xF7A, s1;
	s8 =	simm.s32 @!p0 $0x1BF5;
	p2 =	por !p2, p0  }
0x20: {  	[sflag:s8] =	ssyncset.s32 @!p0 $0xFFFFF086;
	s6 =	sadd.s32 @!p0 s3, s7;
	s7 =	simm.s32 @!p0 $0x108  }
0x21: {  	s3 =	sadd.s32 s3, s9;
	s6 =	sadd.s32 @!p0 $0x88, s6;
	s7 =	simm.s32 @p2 $0x1082  }
0x22: {  	[simem:s7], [sflag:s8] =	dma.local @!p0 [hbm:s6], $0xF7A  }
0x23: {  	s9 =	sor.u32 $0xD0000000, s2;
	s6 =	simm.s32 $0x108;
	_ =	swait.ge @!p0 [sflag:s8], $0x0  }
0x24: {  	s3 =	sadd.s32 $0x88, s3;
	s6 =	simm.s32 @!p1 $0x1082;
	[sflag:s4] =	ssyncset.s32 $0xFFFFF086  }
0x25: {  	[simem:s6], [sflag:s4] =	dma.local [hbm:s3], $0xF7A  }
0x26: {  	[smem:$0x3F9E] =	sst s1;
	(tag) =	ssettag s2;
	_ =	strace s9  }
0x27: {  	s1 =	sld [smem:$0x3FAE]  }
0x28: {  	s2 =	sld [smem:$0x3FAF]  }
0x29: {  	s4 =	sld [smem:$0x3FB1]  }
0x2a: {  	p0 =	seq.s32 s5, $0x0;
	s5 =	sld [smem:$0x3FB2]  }
0x2b: {  	s6 =	sld [smem:$0x3FB3]  }
0x2c: {  	s7 =	sld [smem:$0x3FB4]  }
0x2d: {  	s3 =	simm.s32 $0x108;
	s8 =	sld [smem:$0x3FB5]  }
0x2e: {  	s3 =	simm.s32 @!p0 $0x1082;
	s9 =	sld [smem:$0x3FB6]  }
0x2f: {  	lr =	sadd.s32 s0, s3;
	s0 =	sld [smem:$0x3FAD]  }
0x30: {  	s3 =	sld [smem:$0x3FB0]  }
0x31: {  	[smem:$0x3FB9] =	sst s10  }
0x32: {  	s10 =	sld [smem:$0x3FB7];
	_ =	sdelay $0x3  }
0x33: {  	p0 =	seq.s32 s10, $0x1;
	s10 =	sld [smem:$0x3FB9];
	_ =	sdelay $0x3  }
0x34: {  	[smem:$0x3FB9] =	sst s10  }
0x35: {  	s10 =	sld [smem:$0x3FB8];
	_ =	sdelay $0x3  }
0x36: {  	p1 =	seq.s32 s10, $0x1;
	s10 =	sld [smem:$0x3FB9];
	_ =	sdelay $0x3  }
0x37: {  	[smem:$0x3FB9] =	sst s10  }
0x38: {  	s10 =	sld [smem:$0x3FBA]  }
0x39: {  	_ = 	snop;
	(pc) =	sbr.ind lr, $3  }
0x3a: {  	_ = 	snop  }
0x3b: {  	_ = 	snop  }
0x3c: {  	p2 =	seq.s32 s10, $0x1;
	s10 =	sld [smem:$0x3FB9]  }
0x3d: {  	_ =	shalt  }
0x3e: {  	_ =	shalt  }
0x3f: {  	_ =	shalt  }
0x40: {  	_ =	shalt  }
0x41: {  	_ =	shalt  }
0x42: {  	_ =	shalt  }
0x43: {  	_ =	shalt  }
0x44: {  	_ =	shalt  }
0x45: {  	_ =	shalt  }
0x46: {  	_ =	shalt  }
0x47: {  	_ =	shalt  }
0x48: {  	_ =	shalt  }
0x49: {  	_ =	shalt  }
0x4a: {  	_ =	shalt  }
0x4b: {  	_ =	shalt  }
0x4c: {  	_ =	shalt  }
0x4d: {  	_ =	shalt  }
0x4e: {  	_ =	shalt  }
0x4f: {  	_ =	shalt  }
0x50: {  	_ =	shalt  }
0x51: {  	_ =	shalt  }
0x52: {  	_ =	shalt  }
0x53: {  	_ =	shalt  }
0x54: {  	_ =	shalt  }
0x55: {  	_ =	shalt  }
0x56: {  	_ =	shalt  }
0x57: {  	_ =	shalt  }
0x58: {  	_ =	shalt  }
0x59: {  	_ =	shalt  }
0x5a: {  	_ =	shalt  }
0x5b: {  	_ =	shalt  }
0x5c: {  	_ =	shalt  }
0x5d: {  	_ =	shalt  }
0x5e: {  	_ =	shalt  }
0x5f: {  	_ =	shalt  }
0x60: {  	_ =	shalt  }
0x61: {  	_ =	shalt  }
0x62: {  	_ =	shalt  }
0x63: {  	_ =	shalt  }
0x64: {  	_ =	shalt  }
0x65: {  	_ =	shalt  }
0x66: {  	_ =	shalt  }
0x67: {  	_ =	shalt  }
0x68: {  	_ =	shalt  }
0x69: {  	_ =	shalt  }
0x6a: {  	_ =	shalt  }
0x6b: {  	_ =	shalt  }
0x6c: {  	_ =	shalt  }
0x6d: {  	_ =	shalt  }
0x6e: {  	_ =	shalt  }
0x6f: {  	_ =	shalt  }
0x70: {  	_ =	shalt  }
0x71: {  	_ =	shalt  }
0x72: {  	_ =	shalt  }
0x73: {  	_ =	shalt  }
0x74: {  	_ =	shalt  }
0x75: {  	_ =	shalt  }
0x76: {  	_ =	shalt  }
0x77: {  	_ =	shalt  }
0x78: {  	_ =	shalt  }
0x79: {  	_ =	shalt  }
0x7a: {  	_ =	shalt  }
0x7b: {  	_ =	shalt  }
0x7c: {  	_ =	shalt  }
0x7d: {  	_ =	shalt  }
0x7e: {  	_ =	shalt  }
0x7f: {  	_ =	shalt  }
0x80: {  	_ =	shalt  }
0x81: {  	_ =	shalt  }
0x82: {  	_ =	shalt  }
0x83: {  	_ =	shalt  }
0x84: {  	_ =	shalt  }
0x85: {  	_ =	shalt  }
0x86: {  	_ =	shalt  }
0x87: {  	_ =	shalt  }
.Lfunc_end0:
.L_simem_size_0:
called_computation_lowered:
.L_overlay_start_0:
0x88: {  	s2 =	sld [smem:$0x3FD9]  }
0x89: {  	s3 =	sld [smem:$0x3FFE];
	_ =	sdelay $0x1  }
0x8a: {  	s1 =	srdreg.scid  }
0x8b: {  	s0 =	sand.u32 $0x1, s1  }
0x8c: {  	s17 =	sshll.u32 s0, $0xA;
	s2 =	sadd.s32 s3, s2  }
0x8d: {  	s2 =	sadd.s32 s2, s17  }
0x8e: {  	[smem:$0x3FC5] =	sst s2  }
0x8f: {  	_ = 	snop  }
0x90: {  	s2 =	sld [smem:$0x3FC9]  }
0x91: {  	s18 =	sld [smem:$0x3FC8];
	(tm) =	ssettm $0x1  }
0x92: {  	s4 =	sld [smem:$0x3FFB];
	_ =	sdelay $0x3  }
0x93: {  	_ =	strace s4  }
0x94: {  	s4 =	sld [smem:$0x3FFC];
	_ =	sdelay $0x3  }
0x95: {  	_ =	strace s4  }
0x96: {  	s4 =	sld [smem:$0x3FFD];
	_ =	sdelay $0x3  }
0x97: {  	_ =	strace s4  }
0x98: {  	_ =	strace $0x8FFFFFFF  }
0x99: {  	s19 =	sld [smem:$0x3FDB];
	_ =	sdelay $0x1  }
0x9a: {  	s5 =	simm.s32 $_scs_section_size  }
0x9b: {  	s6 =	simm.s32 $_size__tile_overlayer_lowered;
	s7 =	simm.s32 $_tile_overlayer_lowered  }
0x9c: {  	s22 =	simm.s32 $0x1BFF;
	s21 =	sshll.u32 s7, $0x1;
	s4 =	sadd.s32 s5, s19  }
0x9d: {  	s8 =	simm.s32 $0x0;
	s20 =	sshll.u32 s6, $0x1;
	s6 =	sadd.s32 s21, s4  }
0x9e: {  	[timem:s8], [sflag:s22] =	dma.local [hbm:s6], s20  }
0x9f: {  	_ =	swait.ge [sflag:s22], s20  }
0xa0: {  	s5 =	ssub.s32 $0x0, s20;
	[sflag:s22] =	ssyncset.done $0x0  }
0xa1: {  	[sflag:s22] =	ssyncadd.s32 s5;
	_ =	sdelay $0x1  }
0xa2: {  	s23 =	simm.s32 $0x1B8B  }
0xa3: {  	_ =	swait.ge [sflag:s23], $0x1  }
0xa4: {  	[sflag:s23] =	ssyncset.done $0x0  }
0xa5: {  	s25 =	simm.s32 $0x1B8E;
	s24 =	sld [smem:$0x3FFE];
	[sflag:s23] =	ssyncadd.s32 $0xFFFFFFFF  }
0xa6: {  	s26 =	simm.s32 $execute0_lowered;
	[smem:$0x3FD2] =	sst s25  }
0xa7: {  	s6 =	sshll.u32 s26, $0x1;
	_ =	strace $0x80000046;
	[dreg:$0x1] =	wrdreg $0xFFFFFFFF  }
0xa8: {  	s28 =	simm.s32 $_size_execute0_lowered;
	s4 =	sadd.s32 s4, s6;
	[dreg:$0x0] =	wrdreg $0x0  }
0xa9: {  	s6 =	sshll.u32 s28, $0x1;
	[dreg:$0x2] =	wrdreg s4  }
0xaa: {  	[dreg:$0x3] =	wrdreg s6  }
0xab: {  	[dreg:$0x4] =	wrdreg $0xC0  }
0xac: {  	_ =	task [dreg:s8], $0x5FFFF  }
0xad: {  	[dreg:$0x1] =	wrdreg $0xFFFFFFFF  }
0xae: {  	[dreg:$0x0] =	wrdreg $0x60  }
0xaf: {  	[dreg:$0x2] =	wrdreg s2  }
0xb0: {  	[dreg:$0x3] =	wrdreg s18  }
0xb1: {  	[dreg:$0x4] =	wrdreg s24  }
0xb2: {  	[dreg:$0x5] =	wrdreg $0x9  }
0xb3: {  	_ =	task.clear_ibuf [dreg:s8], $0x6FFFF;
	_ =	strace $0x90000046  }
0xb4: {  	s29 =	simm.s32 $0x9;
	_ =	strace $0x80000048  }
0xb5: {  	_ =	swait.ge [sflag:s29], $0x1  }
0xb6: {  	[sflag:s29] =	ssyncadd.s32 $0xFFFFFFFF  }
0xb7: {  	_ =	strace $0x90000048  }
0xb8: {  	_ =	sfence  }
0xb9: {  	s30 =	sld [smem:$0x0];
	_ =	sdelay $0x2  }
0xba: {  	s31 =	sshll.u32 s1, $0xD;
	s1 =	sshrl.u32 s1, $0x2  }
0xbb: {  	s3 =	sand.u32 $0x4000, s31;
	s1 =	sadd.s32 s1, s30  }
0xbc: {  	s0 =	sor.u32 s3, s0;
	s1 =	sshll.u32 s1, $0x11  }
0xbd: {  	s0 =	sor.u32 s1, s0  }
0xbe: {  	s0 =	sadd.s32 $0x8F2B, s0  }
0xbf: {  	[sflag:s0] =	ssyncadd.remote.s32 $0x1  }
0xc0: {  	_ =	sfence.sel $0xFFFF  }
0xc1: {  	[dreg:$0x0] =	wrdreg $0xFFFFFFFF;
	(pc) =	sbr.abs _section_cstart, $3  }
0xc2: {  	[dreg:$0x1] =	wrdreg $0xFFFFFFFF  }
0xc3: {  	_ =	task.clear_ibuf [dreg:s8], $0x2FFFF;
	_ =	strace $0x9FFFFFFF  }
0xc4: {  	(tm) =	ssettm $0x7FFFFFFF  }
0xc5: {  	_ =	shalt  }
tec
execute0_lowered:
.L_overlay_start_1:
0x0: {  	(tag) =	ssettag $0x1  }
0x1: {  	s1 =	rddreg [dreg:$0x0]  }
0x2: {  	s3 =	rddreg [dreg:$0x1]  }
0x3: {  	s6 =	rddreg [dreg:$0x2]  }
0x4: {  	s0 =	rddreg [dreg:$0x3];
	s5 =	srdreg.scid  }
0x5: {  	s2 =	stileid.u32;
	s4 =	simm.s32 $0x0;
	s11 =	simm.s32 $0x400  }
0x6: {  	s12 =	simm.s32 $0x1;
	s13 =	simm.s32 $0x80;
	s14 =	simm.s32 $0x600  }
0x7: {  	s15 =	simm.s32 $0x4600;
	s16 =	simm.s32 $0x8600;
	s17 =	simm.s32 $0xC600  }
0x8: {  	s18 =	simm.s32 $0x280;
	s19 =	simm.s32 $0x10600;
	s20 =	simm.s32 $0x480  }
0x9: {  	s21 =	simm.s32 $0x14600;
	s22 =	simm.s32 $0x100;
	s23 =	simm.s32 $0x300  }
0xa: {  	s24 =	simm.s32 $0x500;
	s25 =	simm.s32 $0x2;
	s28 =	simm.s32 $0x380  }
0xb: {  	s29 =	simm.s32 $0x580;
	s30 =	simm.s32 $0x18600;
	s31 =	simm.s32 $0x3  }
0xc: {  	s5 =	sand.u32 $0x1, s5;
	s7 =	sshll.u32 s2, $0x1;
	[smem:$0x7FF] =	sst s4  }
0xd: {  	s7 =	sor.u32 s5, s7;
	_ =	strace $0x80000047;
	s8 =	ssub.s32 $0x2, s5  }
0xe: {  	s26 =	sshll.u32 s7, $0x6;
	s7 =	sshll.u32 s7, $0x4;
	s9 =	sshrl.u32 s8, $0x1  }
0xf: {  	s5 =	sadd.s32 s6, s26;
	s10 =	sadd.s32 s7, s6;
	s9 =	ssub.s32 s8, s9  }
0x10: {  	s26 =	simm.s32 $0x180;
	s6 =	sadd.s32 $0x800, s5;
	s7 =	sadd.s32 $0x1000, s5  }
0x11: {  	s8 =	sadd.s32 $0x1800, s10;
	s9 =	smax.u32 s9, $0x1;
	s10 =	simm.s32 $0x200  }
.LBB2_1:
0x12: {  	[tilespmem:s4], [sflag:$0x1] =	stream.linear.gather [hbm4b:s5+s4], $0x200, $0x38;
	[tilespmem:$0x18680] =	vst v63  }
0x13: {  	_ = 	snop  }
0x14: {  	[tilespmem:s10], [sflag:$0x1] =	stream.linear.gather [hbm4b:s6+s4], $0x200, $0x38;
	[tilespmem:$0x18680] =	vst v63  }
0x15: {  	_ = 	snop  }
0x16: {  	[tilespmem:s11], [sflag:$0x1] =	stream.linear.gather [hbm4b:s7+s4], $0x200, $0x38;
	[tilespmem:$0x18680] =	vst v63  }
0x17: {  	_ =	swait.ge [sflag:s12], $0x200  }
0x18: {  	[sflag:s12] =	ssyncset.done $0x0  }
0x19: {  	[sflag:s12] =	ssyncadd.s32 $0xFFFFFE00  }
0x1a: {  	_ =	swait.ge [sflag:s12], $0x200  }
0x1b: {  	[sflag:s12] =	ssyncset.done $0x0  }
0x1c: {  	[sflag:s12] =	ssyncadd.s32 $0xFFFFFE00  }
0x1d: {  	_ =	swait.ge [sflag:s12], $0x200  }
0x1e: {  	[sflag:s12] =	ssyncset.done $0x0  }
0x1f: {  	[sflag:s12] =	ssyncadd.s32 $0xFFFFFE00  }
0x20: {  	[tilespmem:s14], [sflag:$0x1] =	stream.indirect.gather [hbm4b:s1+s13], $0x80, s4, s13, $0xb8;
	[tilespmem:$0x18680] =	vst v63  }
0x21: {  	_ = 	snop  }
0x22: {  	[tilespmem:s15], [sflag:$0x1] =	stream.indirect.gather [hbm4b:s3+s13], $0x80, s10, s13, $0xb8;
	[tilespmem:$0x18680] =	vst v63  }
0x23: {  	_ = 	snop  }
0x24: {  	[tilespmem:s16], [sflag:$0x1] =	stream.indirect.gather [hbm4b:s1+s13], $0x80, s11, s13, $0xb8;
	[tilespmem:$0x18680] =	vst v63  }
0x25: {  	_ = 	snop  }
0x26: {  	[tilespmem:s17], [sflag:$0x2] =	stream.indirect.gather [hbm4b:s1+s13], $0x80, s13, s13, $0xb8;
	[tilespmem:$0x18680] =	vst v63  }
0x27: {  	_ = 	snop  }
0x28: {  	[tilespmem:s19], [sflag:$0x2] =	stream.indirect.gather [hbm4b:s3+s13], $0x80, s18, s13, $0xb8;
	[tilespmem:$0x18680] =	vst v63  }
0x29: {  	_ = 	snop  }
0x2a: {  	[tilespmem:s21], [sflag:$0x2] =	stream.indirect.gather [hbm4b:s1+s13], $0x80, s20, s13, $0xb8;
	[tilespmem:$0x18680] =	vst v63  }
0x2b: {  	_ =	swait.ge [sflag:s12], $0x4000  }
0x2c: {  	[sflag:s12] =	ssyncset.done $0x0  }
0x2d: {  	[sflag:s12] =	ssyncadd.s32 $0xFFFFC000  }
0x2e: {  	_ =	swait.ge [sflag:s12], $0x4000  }
0x2f: {  	[sflag:s12] =	ssyncset.done $0x0  }
0x30: {  	[sflag:s12] =	ssyncadd.s32 $0xFFFFC000  }
0x31: {  	_ =	swait.ge [sflag:s12], $0x4000  }
0x32: {  	[sflag:s12] =	ssyncset.done $0x0  }
0x33: {  	[sflag:s12] =	ssyncadd.s32 $0xFFFFC000  }
0x34: {  	v0 =	vld [tilespmem:$0x600]  }
0x35: {  	v1 =	vld [tilespmem:$0x4600]  }
0x36: {  	v2 =	vld [tilespmem:$0x8600]  }
0x37: {  	v3 =	vld [tilespmem:$0x610]  }
0x38: {  	v4 =	vld [tilespmem:$0x4610]  }
0x39: {  	v5 =	vld [tilespmem:$0x8610]  }
0x3a: {  	v6 =	vld [tilespmem:$0x620]  }
0x3b: {  	v7 =	vld [tilespmem:$0x4620]  }
0x3c: {  	v8 =	vld [tilespmem:$0x8620]  }
0x3d: {  	v9 =	vld [tilespmem:$0x630]  }
0x3e: {  	v10 =	vld [tilespmem:$0x4630]  }
0x3f: {  	v11 =	vld [tilespmem:$0x8630]  }
0x40: {  	v12 =	vld [tilespmem:$0x640]  }
0x41: {  	v13 =	vld [tilespmem:$0x4640]  }
0x42: {  	v14 =	vld [tilespmem:$0x8640]  }
0x43: {  	v15 =	vld [tilespmem:$0x650]  }
0x44: {  	v16 =	vld [tilespmem:$0x4650]  }
0x45: {  	v17 =	vld [tilespmem:$0x8650]  }
0x46: {  	v18 =	vld [tilespmem:$0x660]  }
0x47: {  	v19 =	vld [tilespmem:$0x4660]  }
0x48: {  	v20 =	vld [tilespmem:$0x8660]  }
0x49: {  	v21 =	vld [tilespmem:$0x670]  }
0x4a: {  	v22 =	vld [tilespmem:$0x4670]  }
0x4b: {  	v23 =	vld [tilespmem:$0x8670];
	[tilespmem:s14], [sflag:$0x1] =	stream.indirect.gather [hbm4b:s1+s13], $0x80, s22, s13, $0xb8  }
0x4c: {  	_ = 	snop  }
0x4d: {  	[tilespmem:s15], [sflag:$0x1] =	stream.indirect.gather [hbm4b:s3+s13], $0x80, s23, s13, $0xb8;
	[tilespmem:$0x18680] =	vst v63  }
0x4e: {  	_ = 	snop  }
0x4f: {  	[tilespmem:s16], [sflag:$0x1] =	stream.indirect.gather [hbm4b:s1+s13], $0x80, s24, s13, $0xb8;
	[tilespmem:$0x18680] =	vst v63  }
0x50: {  	_ =	swait.ge [sflag:s25], $0x4000  }
0x51: {  	[sflag:s25] =	ssyncset.done $0x0  }
0x52: {  	[sflag:s25] =	ssyncadd.s32 $0xFFFFC000  }
0x53: {  	_ =	swait.ge [sflag:s25], $0x4000  }
0x54: {  	[sflag:s25] =	ssyncset.done $0x0  }
0x55: {  	[sflag:s25] =	ssyncadd.s32 $0xFFFFC000  }
0x56: {  	_ =	swait.ge [sflag:s25], $0x4000  }
0x57: {  	[sflag:s25] =	ssyncset.done $0x0  }
0x58: {  	[sflag:s25] =	ssyncadd.s32 $0xFFFFC000  }
0x59: {  	v24 =	vld [tilespmem:$0xC600]  }
0x5a: {  	v25 =	vld [tilespmem:$0x10600]  }
0x5b: {  	v26 =	vld [tilespmem:$0x14600]  }
0x5c: {  	v27 =	vld [tilespmem:$0xC610]  }
0x5d: {  	v28 =	vld [tilespmem:$0x10610]  }
0x5e: {  	v29 =	vld [tilespmem:$0x14610]  }
0x5f: {  	v30 =	vld [tilespmem:$0xC620]  }
0x60: {  	v31 =	vld [tilespmem:$0x10620]  }
0x61: {  	v32 =	vld [tilespmem:$0x14620]  }
0x62: {  	v33 =	vld [tilespmem:$0xC630]  }
0x63: {  	v34 =	vld [tilespmem:$0x10630]  }
0x64: {  	v35 =	vld [tilespmem:$0x14630]  }
0x65: {  	v36 =	vld [tilespmem:$0xC640]  }
0x66: {  	v37 =	vld [tilespmem:$0x10640]  }
0x67: {  	v38 =	vld [tilespmem:$0x14640]  }
0x68: {  	v39 =	vld [tilespmem:$0xC650]  }
0x69: {  	v40 =	vld [tilespmem:$0x10650]  }
0x6a: {  	v41 =	vld [tilespmem:$0x14650]  }
0x6b: {  	v42 =	vld [tilespmem:$0xC660]  }
0x6c: {  	v43 =	vld [tilespmem:$0x10660]  }
0x6d: {  	v44 =	vld [tilespmem:$0x14660]  }
0x6e: {  	v45 =	vld [tilespmem:$0xC670]  }
0x6f: {  	v46 =	vld [tilespmem:$0x10670]  }
0x70: {  	v47 =	vld [tilespmem:$0x14670];
	[tilespmem:s17], [sflag:$0x2] =	stream.indirect.gather [hbm4b:s1+s13], $0x80, s26, s13, $0xb8  }
0x71: {  	_ = 	snop  }
0x72: {  	[tilespmem:s19], [sflag:$0x2] =	stream.indirect.gather [hbm4b:s3+s13], $0x80, s28, s13, $0xb8;
	[tilespmem:$0x18680] =	vst v63  }
0x73: {  	_ = 	snop  }
0x74: {  	[tilespmem:s21], [sflag:$0x2] =	stream.indirect.gather [hbm4b:s1+s13], $0x80, s29, s13, $0xb8;
	[tilespmem:$0x18680] =	vst v63  }
0x75: {  	_ =	swait.ge [sflag:s12], $0x4000  }
0x76: {  	[sflag:s12] =	ssyncset.done $0x0  }
0x77: {  	[sflag:s12] =	ssyncadd.s32 $0xFFFFC000  }
0x78: {  	_ =	swait.ge [sflag:s12], $0x4000  }
0x79: {  	[sflag:s12] =	ssyncset.done $0x0  }
0x7a: {  	[sflag:s12] =	ssyncadd.s32 $0xFFFFC000  }
0x7b: {  	_ =	swait.ge [sflag:s12], $0x4000  }
0x7c: {  	[sflag:s12] =	ssyncset.done $0x0  }
0x7d: {  	[sflag:s12] =	ssyncadd.s32 $0xFFFFC000  }
0x7e: {  	v48 =	vld [tilespmem:$0x600]  }
0x7f: {  	v49 =	vld [tilespmem:$0x4600]  }
0x80: {  	v50 =	vld [tilespmem:$0x8600]  }
0x81: {  	v51 =	vld [tilespmem:$0x610]  }
0x82: {  	v52 =	vld [tilespmem:$0x4610]  }
0x83: {  	v53 =	vld [tilespmem:$0x8610]  }
0x84: {  	v54 =	vld [tilespmem:$0x620]  }
0x85: {  	v55 =	vld [tilespmem:$0x4620]  }
0x86: {  	v56 =	vld [tilespmem:$0x8620]  }
0x87: {  	v57 =	vld [tilespmem:$0x630]  }
0x88: {  	v58 =	vld [tilespmem:$0x4630]  }
0x89: {  	v59 =	vld [tilespmem:$0x8630]  }
0x8a: {  	v0 =	vadd.f32 v1, v0;
	v1 =	vld [tilespmem:$0x640]  }
0x8b: {  	v3 =	vadd.f32 v4, v3;
	v4 =	vld [tilespmem:$0x4640]  }
0x8c: {  	v62 =	vadd.f32 v7, v6;
	v6 =	vld [tilespmem:$0x8640]  }
0x8d: {  	v63 =	vadd.f32 v10, v9;
	v13 =	vadd.f32 v13, v12;
	v7 =	vld [tilespmem:$0x650]  }
0x8e: {  	v16 =	vadd.f32 v16, v15;
	v0 =	vsub.f32 v0, v2;
	v9 =	vld [tilespmem:$0x4650]  }
0x8f: {  	v3 =	vsub.f32 v3, v5;
	v5 =	vsub.f32 v63, v11;
	v11 =	vld [tilespmem:$0x8650]  }
0x90: {  	v2 =	vsub.f32 v62, v8;
	v8 =	vsub.f32 v13, v14;
	v13 =	vld [tilespmem:$0x660]  }
0x91: {  	v19 =	vadd.f32 v19, v18;
	v15 =	vld [tilespmem:$0x4660]  }
0x92: {  	v22 =	vadd.f32 v22, v21;
	v10 =	vsub.f32 v16, v17;
	v17 =	vld [tilespmem:$0x8660]  }
0x93: {  	v12 =	vsub.f32 v19, v20;
	v19 =	vld [tilespmem:$0x670]  }
0x94: {  	v14 =	vsub.f32 v22, v23;
	v0 =	vmul.f32 v0, v0;
	v3 =	vmul.f32 v3, v3;
	v21 =	vld [tilespmem:$0x4670]  }
0x95: {  	v2 =	vmul.f32 v2, v2;
	v25 =	vadd.f32 v25, v24;
	v28 =	vadd.f32 v28, v27;
	v23 =	vld [tilespmem:$0x8670];
	_ =	swait.ge [sflag:s25], $0x4000  }
0x96: {  	v5 =	vmul.f32 v5, v5;
	v31 =	vadd.f32 v31, v30;
	v33 =	vadd.f32 v34, v33;
	[sflag:s25] =	ssyncset.done $0x0  }
0x97: {  	v8 =	vmul.f32 v8, v8;
	v37 =	vadd.f32 v37, v36;
	v39 =	vadd.f32 v40, v39;
	[sflag:s25] =	ssyncadd.s32 $0xFFFFC000  }
0x98: {  	v10 =	vmul.f32 v10, v10;
	v40 =	vadd.f32 v43, v42;
	v16 =	vsub.f32 v25, v26;
	_ =	swait.ge [sflag:s25], $0x4000  }
0x99: {  	v12 =	vmul.f32 v12, v12;
	v18 =	vsub.f32 v28, v29;
	v20 =	vsub.f32 v31, v32;
	[sflag:s25] =	ssyncset.done $0x0  }
0x9a: {  	v42 =	vadd.f32 v46, v45;
	v22 =	vsub.f32 v33, v35;
	v16 =	vmul.f32 v16, v16;
	[sflag:s25] =	ssyncadd.s32 $0xFFFFC000  }
0x9b: {  	v18 =	vmul.f32 v18, v18;
	v34 =	vmul.f32 v20, v20;
	v20 =	vsub.f32 v40, v44;
	_ =	swait.ge [sflag:s25], $0x4000  }
0x9c: {  	v35 =	vmul.f32 v22, v22;
	v22 =	vsub.f32 v42, v47;
	v0 =	vadd.f32 v16, v0;
	[sflag:s25] =	ssyncset.done $0x0  }
0x9d: {  	v14 =	vmul.f32 v14, v14;
	v3 =	vadd.f32 v18, v3;
	v16 =	vsub.f32 v37, v38;
	[sflag:s25] =	ssyncadd.s32 $0xFFFFC000  }
0x9e: {  	v18 =	vsub.f32 v39, v41;
	v44 =	vmul.f32 v20, v20;
	v46 =	vmul.f32 v22, v22;
	v43 =	vld [tilespmem:$0xC600]  }
0x9f: {  	v2 =	vadd.f32 v34, v2;
	v5 =	vadd.f32 v35, v5;
	v16 =	vmul.f32 v16, v16;
	v45 =	vld [tilespmem:$0x10600]  }
0xa0: {  	v18 =	vmul.f32 v18, v18;
	v12 =	vadd.f32 v44, v12;
	v14 =	vadd.f32 v46, v14;
	v47 =	vld [tilespmem:$0x14600]  }
0xa1: {  	v8 =	vadd.f32 v16, v8;
	v48 =	vadd.f32 v49, v48;
	v49 =	vld [tilespmem:$0xC610]  }
0xa2: {  	v10 =	vadd.f32 v18, v10;
	v51 =	vadd.f32 v52, v51;
	v52 =	vld [tilespmem:$0x10610]  }
0xa3: {  	v60 =	vadd.f32 v55, v54;
	v62 =	vadd.f32 v58, v57;
	v61 =	vld [tilespmem:$0x14610]  }
0xa4: {  	v1 =	vadd.f32 v4, v1;
	v7 =	vadd.f32 v9, v7;
	v63 =	vld [tilespmem:$0xC620]  }
0xa5: {  	v39 =	vadd.f32 v15, v13;
	v19 =	vadd.f32 v21, v19;
	v33 =	vld [tilespmem:$0x10620]  }
0xa6: {  	v16 =	vsub.f32 v48, v50;
	v18 =	vsub.f32 v51, v53;
	v34 =	vld [tilespmem:$0x14620]  }
0xa7: {  	v27 =	vsub.f32 v60, v56;
	v29 =	vsub.f32 v62, v59;
	v35 =	vld [tilespmem:$0xC630]  }
0xa8: {  	v1 =	vsub.f32 v1, v6;
	v7 =	vsub.f32 v7, v11;
	v16 =	vmul.f32 v16, v16;
	v36 =	vld [tilespmem:$0x10630]  }
0xa9: {  	v50 =	vsub.f32 v19, v23;
	v18 =	vmul.f32 v18, v18;
	v27 =	vmul.f32 v27, v27;
	v37 =	vld [tilespmem:$0x14630]  }
0xaa: {  	v1 =	vmul.f32 v1, v1;
	v7 =	vmul.f32 v7, v7;
	v38 =	vld [tilespmem:$0xC640];
	v0 =	vadd.f32 v16, v0  }
0xab: {  	v40 =	vld [tilespmem:$0x10640];
	v3 =	vadd.f32 v18, v3;
	v2 =	vadd.f32 v27, v2  }
0xac: {  	v42 =	vld [tilespmem:$0x14640];
	v1 =	vadd.f32 v1, v8;
	v7 =	vadd.f32 v7, v10  }
0xad: {  	v44 =	vld [tilespmem:$0xC650];
	v41 =	vadd.f32 v45, v43;
	v43 =	vadd.f32 v52, v49  }
0xae: {  	v29 =	vmul.f32 v29, v29;
	v46 =	vld [tilespmem:$0x14650];
	v8 =	vsub.f32 v39, v17;
	v4 =	vadd.f32 v33, v63  }
0xaf: {  	v45 =	vld [tilespmem:$0x10650];
	v10 =	vsub.f32 v41, v47;
	v17 =	vsub.f32 v43, v61  }
0xb0: {  	v54 =	vld [tilespmem:$0x10670];
	v5 =	vadd.f32 v29, v5;
	v6 =	vadd.f32 v36, v35  }
0xb1: {  	v49 =	vld [tilespmem:$0x10660];
	v4 =	vsub.f32 v4, v34;
	v10 =	vmul.f32 v10, v10;
	v48 =	vmul.f32 v17, v17  }
0xb2: {  	v13 =	vadd.f32 v40, v38;
	v47 =	vld [tilespmem:$0xC660];
	v6 =	vsub.f32 v6, v37  }
0xb3: {  	v52 =	vld [tilespmem:$0xC670];
	v4 =	vmul.f32 v4, v4;
	v0 =	vadd.f32 v10, v0;
	v3 =	vadd.f32 v48, v3  }
0xb4: {  	v51 =	vld [tilespmem:$0x14660];
	v13 =	vsub.f32 v13, v42;
	v6 =	vmul.f32 v6, v6;
	v53 =	vadd.f32 v45, v44  }
0xb5: {  	v57 =	vld [tilespmem:$0x14670];
	v2 =	vadd.f32 v4, v2;
	v0 =	vadd.f32 v3, v0  }
0xb6: {  	v55 =	vmul.f32 v13, v13;
	v5 =	vadd.f32 v6, v5;
	v4 =	vsub.f32 v53, v46  }
0xb7: {  	v56 =	vadd.f32 v49, v47;
	v0 =	vadd.f32 v2, v0  }
0xb8: {  	v59 =	vmul.f32 v8, v8;
	v60 =	vadd.f32 v54, v52;
	v1 =	vadd.f32 v55, v1  }
0xb9: {  	v58 =	vsub.f32 v56, v51;
	v4 =	vmul.f32 v4, v4;
	v0 =	vadd.f32 v5, v0  }
0xba: {  	v61 =	vmul.f32 v50, v50;
	v6 =	vsub.f32 v60, v57;
	v3 =	vadd.f32 v59, v12  }
0xbb: {  	v4 =	vadd.f32 v4, v7;
	v2 =	vmul.f32 v58, v58;
	v0 =	vadd.f32 v1, v0  }
0xbc: {  	v62 =	vadd.f32 v61, v14  }
0xbd: {  	v63 =	vmul.f32 v6, v6;
	v2 =	vadd.f32 v2, v3;
	v0 =	vadd.f32 v4, v0;
	_ =	sdelay $0x1  }
0xbe: {  	v1 =	vadd.f32 v63, v62;
	v0 =	vadd.f32 v2, v0;
	_ =	sdelay $0x1  }
0xbf: {  	v0 =	vadd.f32 v1, v0  }
0xc0: {  	p0 =	sne.s32 s9, $0x1  }
.Ltmp0:
0xc1: {  	[tilespmem:$0x18600] =	vst v0;
	(pc) =	sbr.rel @p0 .LBB2_1-.Ltmp0, $4  }
0xc2: {  	[hbm4b:s8+s4] =	stream.linear.scatter [tilespmem:s30], [sflag:$0x3], $0x80, $0x38;
	[tilespmem:$0x18680] =	vst v63  }
0xc3: {  	_ =	swait.ge [sflag:s31], $0x80  }
0xc4: {  	[sflag:s31] =	ssyncset.done $0x0  }
0xc5: {  	s9 =	sadd.s32 $0xFFFFFFFF, s9;
	[sflag:s31] =	ssyncadd.s32 $0xFFFFFF80  }
0xc6: {  	_ =	sfence.sel $0x180000  }
0xc7: {  	[bflag:$0x0] =	sbarrier.arrive $0xFFFF  }
0xc8: {  	p0 =	sne.s32 s2, $0x0;
	_ =	strace $0x90000047  }
0xc9: {  	s0 =	sadd.s32 @!p0 $0x100000, s0;
	[bflag:$0x2] =	sbarrier.arrive $0xFFFF  }
0xca: {  	[sflag:s0] =	ssyncadd.tile.s32 @!p0 $0x1;
	_ =	shalt  }
.Lfunc_end2:
_tile_overlayer_lowered:
.L_overlay_start_2:
0xcb: {  	(tag) =	ssettag $0x2  }
0xcc: {  	s0 =	rddreg [dreg:$0x0];
	s2 =	stileid.u32  }
0xcd: {  	s1 =	rddreg [dreg:$0x1];
	p0 =	sne.s32 s2, $0x0  }
0xce: {  	s3 =	rddreg [dreg:$0x2];
	[bflag:$0x3] =	sbarrier.arrive $0xFFFF;
	s2 =	simm.s32 @!p0 $0x1C03  }
0xcf: {  	[timem:s3], [sflag:s2] =	dma.local @!p0 [hbm:s0], s1  }
0xd0: {  	s0 =	simm.s32 @!p0 $0x3  }
0xd1: {  	_ =	swait.ge @!p0 [sflag:s0], s1  }
0xd2: {  	s1 =	ssub.s32 @!p0 $0x0, s1;
	[sflag:s0] =	ssyncset.done @!p0 $0x0  }
0xd3: {  	[sflag:s0] =	ssyncadd.s32 @!p0 s1  }
0xd4: {  	[bflag:$0x3] =	sbarrier.arrive $0xFFFF  }
0xd5: {  	_ =	shalt  }

</sc_bundles>
